<compile_context>
chip_gen: v7x
topology: tpu7x:2x2x1
jax: 0.10.2.dev20260603
libtpu: 0.0.44.dev20260713+nightly
codegen_flags: <defaults>
</compile_context>

<pallas_src>
import functools

import jax
import jax.numpy as jnp
from jax import lax
from jax.experimental import pallas as pl
from jax.experimental.pallas import tpu as pltpu
from jax.experimental.pallas import tpu_sc as plsc

_K = 64
_L = 16

_B, _S, _D = 4, 2048, 1024
_DW = 128
_NG = _DW // _L
_SC = 256
_NCHUNK = _S // _SC

_NINF = jnp.float32(-jnp.inf)


def _rev(x):
    return lax.rev(x, dimensions=(0,))


def _vsort_asc(x):
    return lax.sort(x, dimension=0)


def _merge_16_16(a, b):
    rb = _rev(b)
    lo = jnp.minimum(a, rb)
    hi = jnp.maximum(a, rb)
    return _vsort_asc(lo), _vsort_asc(hi)


def _merge_32_32(a, b):
    rb0, rb1 = _rev(b[1]), _rev(b[0])
    l0, l1 = jnp.minimum(a[0], rb0), jnp.minimum(a[1], rb1)
    h0, h1 = jnp.maximum(a[0], rb0), jnp.maximum(a[1], rb1)
    u0, u1 = jnp.minimum(l0, l1), jnp.maximum(l0, l1)
    u2, u3 = jnp.minimum(h0, h1), jnp.maximum(h0, h1)
    return tuple(_vsort_asc(u) for u in (u0, u1, u2, u3))


def _merge_64_64_top(a, b):
    t = tuple(jnp.maximum(a[i], _rev(b[3 - i])) for i in range(4))
    u0, u2 = jnp.minimum(t[0], t[2]), jnp.maximum(t[0], t[2])
    u1, u3 = jnp.minimum(t[1], t[3]), jnp.maximum(t[1], t[3])
    v0, v1 = jnp.minimum(u0, u1), jnp.maximum(u0, u1)
    v2, v3 = jnp.minimum(u2, u3), jnp.maximum(u2, u3)
    return tuple(_vsort_asc(v) for v in (v0, v1, v2, v3))


def _tree4(vs):
    s = [_vsort_asc(v) for v in vs]
    a = _merge_16_16(s[0], s[1])
    b = _merge_16_16(s[2], s[3])
    return _merge_32_32(a, b)


def _tree8_top(vs):
    return _merge_64_64_top(_tree4(vs[:4]), _tree4(vs[4:]))


def _tree16_top(vs):
    return _merge_64_64_top(_tree8_top(vs[:8]), _tree8_top(vs[8:]))


def _sc_body(x_hbm, out_hbm, slab, run_buf, surv, cnt_buf, stage):
    wid = lax.axis_index("s") * 2 + lax.axis_index("c")
    b = wid // (_D // _DW)
    d0 = pl.multiple_of((wid % (_D // _DW)) * _DW, _DW)
    iota = lax.iota(jnp.int32, _L)
    zero = jnp.zeros((_L,), jnp.float32)

    def _splat(v):
        return jnp.broadcast_to(v, (_L,)).astype(jnp.int32)

    def _dma_chunk(s):
        pltpu.sync_copy(
            x_hbm.at[b, pl.ds(pl.multiple_of(s * _SC, _SC), _SC), pl.ds(d0, _DW)],
            slab.at[:, pl.ds(0, _DW)],
        )

    _dma_chunk(0)

    def init_col(c, _):
        cvec = _splat(c)
        vs = [
            plsc.load_gather(slab, [t * _L + iota, cvec]) for t in range(_SC // _L)
        ]
        run = _tree16_top(vs)
        for i in range(4):
            run_buf[c, pl.ds(i * _L, _L)] = run[i]
        return 0

    lax.fori_loop(0, _DW, init_col, 0)

    def chunk_body(s, _):
        _dma_chunk(s)

        def group_body(g, _):
            cidx = g * _L + iota
            t_vec = plsc.load_gather(run_buf, [cidx, _splat(0)])

            def frow(r, cnt):
                vs = [slab[r * 8 + u, pl.ds(g * _L, _L)] for u in range(8)]
                ms = [v >= t_vec for v in vs]
                cs = [jnp.where(m, 1, 0).astype(jnp.int32) for m in ms]
                p01 = cs[0] + cs[1]
                p23 = cs[2] + cs[3]
                p45 = cs[4] + cs[5]
                p67 = cs[6] + cs[7]
                p03 = p01 + p23
                offs = [
                    cnt,
                    cnt + cs[0],
                    cnt + p01,
                    cnt + p01 + cs[2],
                    cnt + p03,
                    cnt + p03 + cs[4],
                    cnt + p03 + p45,
                    cnt + p03 + p45 + cs[6],
                ]
                for u in range(8):
                    plsc.store_scatter(surv, [cidx, offs[u]], vs[u], mask=ms[u])
                return cnt + p03 + p45 + p67

            cnt = lax.fori_loop(0, _SC // 8, frow, jnp.zeros((_L,), jnp.int32))
            cnt_buf[g, pl.ds(0, _L)] = cnt

            def drain_col(c16, _):
                c = g * _L + c16
                cnts = plsc.load_gather(cnt_buf, [_splat(g), _splat(c16)])
                n = lax.reduce_max(cnts, (0,))

                def load_surv(j):
                    v = surv[c, pl.ds(j * _L, _L)]
                    return jnp.where(j * _L + iota < cnts, v, _NINF)

                top = lax.cond(
                    n <= _K,
                    lambda: _tree4([load_surv(j) for j in range(4)]),
                    lambda: lax.cond(
                        n <= 2 * _K,
                        lambda: _tree8_top([load_surv(j) for j in range(8)]),
                        lambda: _tree16_top([load_surv(j) for j in range(16)]),
                    ),
                )
                run = tuple(run_buf[c, pl.ds(i * _L, _L)] for i in range(4))
                merged = _merge_64_64_top(run, top)
                for i in range(4):
                    run_buf[c, pl.ds(i * _L, _L)] = merged[i]
                return 0

            return 0

        lax.fori_loop(0, _NG, group_body, 0)
        return 0

    lax.fori_loop(1, _NCHUNK, chunk_body, 0)

    def st(c, _):
        cvec = _splat(c)
        for i in range(4):
            plsc.store_scatter(
                stage,
                [i * _L + iota, cvec],
                _rev(run_buf[c, pl.ds((3 - i) * _L, _L)]),
            )
        return 0

    lax.fori_loop(0, _DW, st, 0)

    pltpu.sync_copy(stage, out_hbm.at[b, pl.ds(0, _K), pl.ds(d0, _DW)])

    def zb(r, _):
        for t in range(_NG):
            slab[r, pl.ds(t * _L, _L)] = zero
        return 0

    lax.fori_loop(0, _SC, zb, 0)
    pltpu.sync_copy(
        slab.at[pl.ds(0, _SC - _K), pl.ds(0, _DW)],
        out_hbm.at[b, pl.ds(_K, _SC - _K), pl.ds(d0, _DW)],
    )
    for z in range(1, _NCHUNK):
        pltpu.sync_copy(
            slab.at[:, pl.ds(0, _DW)],
            out_hbm.at[b, pl.ds(z * _SC, _SC), pl.ds(d0, _DW)],
        )


@functools.cache
def _build_sc_kernel():
    return pl.kernel(
        _sc_body,
        out_type=jax.ShapeDtypeStruct((_B, _S, _D), jnp.float32),
        mesh=plsc.VectorSubcoreMesh(core_axis_name="c", subcore_axis_name="s"),
        scratch_types=[
            pltpu.VMEM((_SC, _DW + 1), jnp.float32),
            pltpu.VMEM((_DW, _K), jnp.float32),
            pltpu.VMEM((_DW, _SC), jnp.float32),
            pltpu.VMEM((_NG, _L), jnp.int32),
            pltpu.VMEM((_K, _DW), jnp.float32),
        ],
        compiler_params=pltpu.CompilerParams(needs_layout_passes=False),
        name="sc_kmax_pool",
    )


def kernel(inputs):
    return _build_sc_kernel()(inputs)

# --- scband reference (transcript-rebuilt; emitter-appended) ---
"""Pipeline reference for scband-kmax-pooling-36490042147100 (READ-ONLY COPY).

The authoritative reference and input builder live on the scoring server;
editing this copy changes nothing except your own understanding.
"""

import jax, jax.numpy as jnp
import numpy as np

K = 64

def setup_inputs(seed: int = 0) -> dict:
    key = jax.random.key(seed)
    inputs = jax.random.normal(key, (4, 2048, 1024), dtype=jnp.float32)
    return {"inputs": inputs}

def reference(inputs):
    # inputs: [B, S, D]
    B, S, D = inputs.shape
    delta = S - K
    # transpose to [B, D, S] so top-k runs along the sequence axis
    shifted = jnp.transpose(inputs, (0, 2, 1))
    top_vals, _ = jax.lax.top_k(shifted, K)  # sorted descending, matches sorted=True
    fill = jnp.zeros((B, D, delta), dtype=inputs.dtype)
    out = jnp.concatenate([top_vals, fill], axis=2)  # [B, D, S]
    return jnp.transpose(out, (0, 2, 1))  # [B, S, D]

if __name__ == "__main__":
    import jax
    _d = setup_inputs()
    print(jax.jit(kernel)(*tuple(_d.values())))

</pallas_src>

<mosaic_0001>
#map = affine_map<(d0, d1) -> (0, 0, 0)>
module attributes {stable_mosaic.version = 14 : i64} {
  func.func @sc_kmax_pool(%arg0: i32, %arg1: i32, %arg2: memref<4x2048x1024xf32, #tpu.memory_space<hbm>>, %arg3: memref<4x2048x1024xf32, #tpu.memory_space<hbm>>, %arg4: memref<256x129xf32, #tpu.memory_space<vmem>>, %arg5: memref<128x64xf32, #tpu.memory_space<vmem>>, %arg6: memref<128x256xf32, #tpu.memory_space<vmem>>, %arg7: memref<8x16xi32, #tpu.memory_space<vmem>>, %arg8: memref<64x128xf32, #tpu.memory_space<vmem>>) attributes {dimension_semantics = [#tpu.dimension_semantics<core_parallel>, #tpu.dimension_semantics<subcore_parallel>], iteration_bounds = array<i64: 2, 16>, scalar_prefetch = 0 : i64, scratch_operands = 5 : i64, tpu.core_type = #tpu.core_type<sc_vector_subcore>, window_params = [{transform_indices = #map}, {transform_indices = #map}]} {
    %mul3A = arith.constant 2 : i32
    %mul3A_0 = arith.muli %arg1, %mul3A : i32
    %add3A = arith.addi %mul3A_0, %arg0 : i32
    %jit3A = arith.constant 8 : i32
    %div3A = arith.divsi %add3A, %jit3A : i32
    %sign3A = arith.constant 0 : i32
    %sign3A_1 = arith.cmpi sgt, %add3A, %sign3A : i32
    %sign3A_2 = arith.extui %sign3A_1 : i1 to i32
    %sign3A_3 = arith.constant 0 : i32
    %sign3A_4 = arith.cmpi slt, %add3A, %sign3A_3 : i32
    %sign3A_5 = arith.extui %sign3A_4 : i1 to i32
    %sign3A_6 = arith.subi %sign3A_2, %sign3A_5 : i32
    %sign3A_7 = arith.constant 0 : i32
    %sign3A_8 = arith.cmpi sgt, %jit3A, %sign3A_7 : i32
    %sign3A_9 = arith.extui %sign3A_8 : i1 to i32
    %sign3A_10 = arith.constant 0 : i32
    %sign3A_11 = arith.cmpi slt, %jit3A, %sign3A_10 : i32
    %sign3A_12 = arith.extui %sign3A_11 : i1 to i32
    %sign3A_13 = arith.subi %sign3A_9, %sign3A_12 : i32
    %ne3A = arith.cmpi ne, %sign3A_6, %sign3A_13 : i32
    %rem3A = arith.remsi %add3A, %jit3A : i32
    %ne3A_14 = arith.constant 0 : i32
    %ne3A_15 = arith.cmpi ne, %rem3A, %ne3A_14 : i32
    %and3A = arith.andi %ne3A, %ne3A_15 : i1
    %sub3A = arith.constant 1 : i32
    %sub3A_16 = arith.subi %div3A, %sub3A : i32
    %select_n3A = arith.select %and3A, %sub3A_16, %div3A : i32
    %jit3A_17 = arith.constant 8 : i32
    %eq3A = arith.constant 0 : i32
    %eq3A_18 = arith.cmpi eq, %jit3A_17, %eq3A : i32
    %jit3A_19 = arith.constant 1 : i32
    %select_n3A_20 = arith.select %eq3A_18, %jit3A_19, %jit3A_17 : i32
    %rem3A_21 = arith.remsi %add3A, %select_n3A_20 : i32
    %ne3A_22 = arith.constant 0 : i32
    %ne3A_23 = arith.cmpi ne, %rem3A_21, %ne3A_22 : i32
    %lt3A = arith.constant 0 : i32
    %lt3A_24 = arith.cmpi slt, %rem3A_21, %lt3A : i32
    %lt3A_25 = arith.constant 0 : i32
    %lt3A_26 = arith.cmpi slt, %select_n3A_20, %lt3A_25 : i32
    %ne3A_27 = arith.xori %lt3A_24, %lt3A_26 : i1
    %and3A_28 = arith.andi %ne3A_27, %ne3A_23 : i1
    %add3A_29 = arith.addi %rem3A_21, %select_n3A_20 : i32
    %select_n3A_30 = arith.select %and3A_28, %add3A_29, %rem3A_21 : i32
    %mul3A_31 = arith.constant 128 : i32
    %mul3A_32 = arith.muli %select_n3A_30, %mul3A_31 : i32
    %multiple_of3A = tpu.assume_multiple %mul3A_32, 128 : i32
    %iota3A = tpu.iota {dimensions = array<i32: 0>} : vector<16xi32>
    %broadcast_in_dim3A = arith.constant 0.000000e+00 : f32
    %broadcast_in_dim3A_33 = vector.broadcast %broadcast_in_dim3A : f32 to vector<16xf32>
    %multiple_of3A_34 = arith.constant 0 : i32
    %multiple_of3A_35 = tpu.assume_multiple %multiple_of3A_34, 256 : i32
    "tpu.region"() ({
      %run_scoped3A = tpu.sem_alloc : memref<!tpu.dma_semaphore, #tpu.memory_space<semaphore_mem>>
      %dma_start3A = arith.constant 0 : i32
      %dma_start3A_63 = arith.constant 0 : i32
      %dma_start3A_64 = tpu.memref_slice %arg4[%dma_start3A, %dma_start3A_63] : memref<256x129xf32, #tpu.memory_space<vmem>> -> memref<256x128xf32, #tpu.memory_space<vmem>>
      %dma_start3A_65 = tpu.memref_slice %arg2[%select_n3A, %multiple_of3A_35, %multiple_of3A] : memref<4x2048x1024xf32, #tpu.memory_space<hbm>> -> memref<1x256x128xf32, #tpu.memory_space<hbm>>
      %dma_start3A_66 = tpu.memref_squeeze %dma_start3A_65 : memref<1x256x128xf32, #tpu.memory_space<hbm>> -> memref<256x128xf32, #tpu.memory_space<hbm>>
      %dma_start3A_67 = arith.constant 0 : i32
      %dma_start3A_68 = arith.constant 0 : i32
      %dma_start3A_69 = tpu.memref_slice %arg4[%dma_start3A_67, %dma_start3A_68] : memref<256x129xf32, #tpu.memory_space<vmem>> -> memref<256x128xf32, #tpu.memory_space<vmem>>
      %dma_start3A_70 = tpu.memref_slice %arg2[%select_n3A, %multiple_of3A_35, %multiple_of3A] : memref<4x2048x1024xf32, #tpu.memory_space<hbm>> -> memref<1x256x128xf32, #tpu.memory_space<hbm>>
      %dma_start3A_71 = tpu.memref_squeeze %dma_start3A_70 : memref<1x256x128xf32, #tpu.memory_space<hbm>> -> memref<256x128xf32, #tpu.memory_space<hbm>>
      tpu.enqueue_dma source(%dma_start3A_71 : memref<256x128xf32, #tpu.memory_space<hbm>>) target(%dma_start3A_69 : memref<256x128xf32, #tpu.memory_space<vmem>>) target_semaphore(%run_scoped3A : memref<!tpu.dma_semaphore, #tpu.memory_space<semaphore_mem>>)
      %dma_wait3A = arith.constant 0 : i32
      %dma_wait3A_72 = arith.constant 0 : i32
      %dma_wait3A_73 = tpu.memref_slice %arg4[%dma_wait3A, %dma_wait3A_72] : memref<256x129xf32, #tpu.memory_space<vmem>> -> memref<256x128xf32, #tpu.memory_space<vmem>>
      %dma_wait3A_74 = tpu.memref_slice %arg2[%select_n3A, %multiple_of3A_35, %multiple_of3A] : memref<4x2048x1024xf32, #tpu.memory_space<hbm>> -> memref<1x256x128xf32, #tpu.memory_space<hbm>>
      %dma_wait3A_75 = tpu.memref_squeeze %dma_wait3A_74 : memref<1x256x128xf32, #tpu.memory_space<hbm>> -> memref<256x128xf32, #tpu.memory_space<hbm>>
      %dma_wait3A_76 = arith.constant 0 : i32
      %dma_wait3A_77 = arith.constant 0 : i32
      %dma_wait3A_78 = tpu.memref_slice %arg4[%dma_wait3A_76, %dma_wait3A_77] : memref<256x129xf32, #tpu.memory_space<vmem>> -> memref<256x128xf32, #tpu.memory_space<vmem>>
      %dma_wait3A_79 = tpu.memref_slice %arg2[%select_n3A, %multiple_of3A_35, %multiple_of3A] : memref<4x2048x1024xf32, #tpu.memory_space<hbm>> -> memref<1x256x128xf32, #tpu.memory_space<hbm>>
      %dma_wait3A_80 = tpu.memref_squeeze %dma_wait3A_79 : memref<1x256x128xf32, #tpu.memory_space<hbm>> -> memref<256x128xf32, #tpu.memory_space<hbm>>
      tpu.wait_dma2 semaphore(%run_scoped3A : memref<!tpu.dma_semaphore, #tpu.memory_space<semaphore_mem>>) src(%dma_wait3A_80 : memref<256x128xf32, #tpu.memory_space<hbm>>) dst(%dma_wait3A_78 : memref<256x128xf32, #tpu.memory_space<vmem>>)
      tpu.yield
    }) : () -> ()
    %scan3A = arith.constant 0 : i32
    %scan3A_36 = arith.constant 0 : i32
    %scan3A_37 = arith.constant 128 : i32
    %scan3A_38 = arith.addi %scan3A_36, %scan3A_37 : i32
    %scan3A_39 = arith.constant 1 : i32
    %scan3A_40 = scf.for %scan3A_63 = %scan3A_36 to %scan3A_38 step %scan3A_39 iter_args(%scan3A_64 = %scan3A) -> (i32)  : i32 {
      %broadcast_in_dim3A_65 = vector.broadcast %scan3A_63 : i32 to vector<16xi32>
      %add3A_66 = arith.constant 0 : i32
      %add3A_67 = vector.broadcast %add3A_66 : i32 to vector<16xi32>
      %add3A_68 = arith.addi %add3A_67, %iota3A : vector<16xi32>
      %gather3A = tpu.vector_load_idx %arg4[%add3A_68, %broadcast_in_dim3A_65] : memref<256x129xf32, #tpu.memory_space<vmem>>[vector<16xi32>, vector<16xi32>], vector<16xf32>,
      %add3A_69 = arith.constant 16 : i32
      %add3A_70 = vector.broadcast %add3A_69 : i32 to vector<16xi32>
      %add3A_71 = arith.addi %add3A_70, %iota3A : vector<16xi32>
      %gather3A_72 = tpu.vector_load_idx %arg4[%add3A_71, %broadcast_in_dim3A_65] : memref<256x129xf32, #tpu.memory_space<vmem>>[vector<16xi32>, vector<16xi32>], vector<16xf32>,
      %add3A_73 = arith.constant 32 : i32
      %add3A_74 = vector.broadcast %add3A_73 : i32 to vector<16xi32>
      %add3A_75 = arith.addi %add3A_74, %iota3A : vector<16xi32>
      %gather3A_76 = tpu.vector_load_idx %arg4[%add3A_75, %broadcast_in_dim3A_65] : memref<256x129xf32, #tpu.memory_space<vmem>>[vector<16xi32>, vector<16xi32>], vector<16xf32>,
      %add3A_77 = arith.constant 48 : i32
      %add3A_78 = vector.broadcast %add3A_77 : i32 to vector<16xi32>
      %add3A_79 = arith.addi %add3A_78, %iota3A : vector<16xi32>
      %gather3A_80 = tpu.vector_load_idx %arg4[%add3A_79, %broadcast_in_dim3A_65] : memref<256x129xf32, #tpu.memory_space<vmem>>[vector<16xi32>, vector<16xi32>], vector<16xf32>,
      %add3A_81 = arith.constant 64 : i32
      %add3A_82 = vector.broadcast %add3A_81 : i32 to vector<16xi32>
      %add3A_83 = arith.addi %add3A_82, %iota3A : vector<16xi32>
      %gather3A_84 = tpu.vector_load_idx %arg4[%add3A_83, %broadcast_in_dim3A_65] : memref<256x129xf32, #tpu.memory_space<vmem>>[vector<16xi32>, vector<16xi32>], vector<16xf32>,
      %add3A_85 = arith.constant 80 : i32
      %add3A_86 = vector.broadcast %add3A_85 : i32 to vector<16xi32>
      %add3A_87 = arith.addi %add3A_86, %iota3A : vector<16xi32>
      %gather3A_88 = tpu.vector_load_idx %arg4[%add3A_87, %broadcast_in_dim3A_65] : memref<256x129xf32, #tpu.memory_space<vmem>>[vector<16xi32>, vector<16xi32>], vector<16xf32>,
      %add3A_89 = arith.constant 96 : i32
      %add3A_90 = vector.broadcast %add3A_89 : i32 to vector<16xi32>
      %add3A_91 = arith.addi %add3A_90, %iota3A : vector<16xi32>
      %gather3A_92 = tpu.vector_load_idx %arg4[%add3A_91, %broadcast_in_dim3A_65] : memref<256x129xf32, #tpu.memory_space<vmem>>[vector<16xi32>, vector<16xi32>], vector<16xf32>,
      %add3A_93 = arith.constant 112 : i32
      %add3A_94 = vector.broadcast %add3A_93 : i32 to vector<16xi32>
      %add3A_95 = arith.addi %add3A_94, %iota3A : vector<16xi32>
      %gather3A_96 = tpu.vector_load_idx %arg4[%add3A_95, %broadcast_in_dim3A_65] : memref<256x129xf32, #tpu.memory_space<vmem>>[vector<16xi32>, vector<16xi32>], vector<16xf32>,
      %add3A_97 = arith.constant 128 : i32
      %add3A_98 = vector.broadcast %add3A_97 : i32 to vector<16xi32>
      %add3A_99 = arith.addi %add3A_98, %iota3A : vector<16xi32>
      %gather3A_100 = tpu.vector_load_idx %arg4[%add3A_99, %broadcast_in_dim3A_65] : memref<256x129xf32, #tpu.memory_space<vmem>>[vector<16xi32>, vector<16xi32>], vector<16xf32>,
      %add3A_101 = arith.constant 144 : i32
      %add3A_102 = vector.broadcast %add3A_101 : i32 to vector<16xi32>
      %add3A_103 = arith.addi %add3A_102, %iota3A : vector<16xi32>
      %gather3A_104 = tpu.vector_load_idx %arg4[%add3A_103, %broadcast_in_dim3A_65] : memref<256x129xf32, #tpu.memory_space<vmem>>[vector<16xi32>, vector<16xi32>], vector<16xf32>,
      %add3A_105 = arith.constant 160 : i32
      %add3A_106 = vector.broadcast %add3A_105 : i32 to vector<16xi32>
      %add3A_107 = arith.addi %add3A_106, %iota3A : vector<16xi32>
      %gather3A_108 = tpu.vector_load_idx %arg4[%add3A_107, %broadcast_in_dim3A_65] : memref<256x129xf32, #tpu.memory_space<vmem>>[vector<16xi32>, vector<16xi32>], vector<16xf32>,
      %add3A_109 = arith.constant 176 : i32
      %add3A_110 = vector.broadcast %add3A_109 : i32 to vector<16xi32>
      %add3A_111 = arith.addi %add3A_110, %iota3A : vector<16xi32>
      %gather3A_112 = tpu.vector_load_idx %arg4[%add3A_111, %broadcast_in_dim3A_65] : memref<256x129xf32, #tpu.memory_space<vmem>>[vector<16xi32>, vector<16xi32>], vector<16xf32>,
      %add3A_113 = arith.constant 192 : i32
      %add3A_114 = vector.broadcast %add3A_113 : i32 to vector<16xi32>
      %add3A_115 = arith.addi %add3A_114, %iota3A : vector<16xi32>
      %gather3A_116 = tpu.vector_load_idx %arg4[%add3A_115, %broadcast_in_dim3A_65] : memref<256x129xf32, #tpu.memory_space<vmem>>[vector<16xi32>, vector<16xi32>], vector<16xf32>,
      %add3A_117 = arith.constant 208 : i32
      %add3A_118 = vector.broadcast %add3A_117 : i32 to vector<16xi32>
      %add3A_119 = arith.addi %add3A_118, %iota3A : vector<16xi32>
      %gather3A_120 = tpu.vector_load_idx %arg4[%add3A_119, %broadcast_in_dim3A_65] : memref<256x129xf32, #tpu.memory_space<vmem>>[vector<16xi32>, vector<16xi32>], vector<16xf32>,
      %add3A_121 = arith.constant 224 : i32
      %add3A_122 = vector.broadcast %add3A_121 : i32 to vector<16xi32>
      %add3A_123 = arith.addi %add3A_122, %iota3A : vector<16xi32>
      %gather3A_124 = tpu.vector_load_idx %arg4[%add3A_123, %broadcast_in_dim3A_65] : memref<256x129xf32, #tpu.memory_space<vmem>>[vector<16xi32>, vector<16xi32>], vector<16xf32>,
      %add3A_125 = arith.constant 240 : i32
      %add3A_126 = vector.broadcast %add3A_125 : i32 to vector<16xi32>
      %add3A_127 = arith.addi %add3A_126, %iota3A : vector<16xi32>
      %gather3A_128 = tpu.vector_load_idx %arg4[%add3A_127, %broadcast_in_dim3A_65] : memref<256x129xf32, #tpu.memory_space<vmem>>[vector<16xi32>, vector<16xi32>], vector<16xf32>,
      %sort3A = arith.constant dense<true> : vector<16xi1>
      %sort3A_129, %sort3A_130, %sort3A_131 = tpu.sort %gather3A, %gather3A masked %sort3A : (vector<16xf32>, vector<16xf32>, vector<16xi1>) -> (vector<16xi1>, vector<16xf32>, vector<16xf32>)
      %sort3A_132 = arith.constant dense<true> : vector<16xi1>
      %sort3A_133, %sort3A_134, %sort3A_135 = tpu.sort %gather3A_72, %gather3A_72 masked %sort3A_132 : (vector<16xf32>, vector<16xf32>, vector<16xi1>) -> (vector<16xi1>, vector<16xf32>, vector<16xf32>)
      %sort3A_136 = arith.constant dense<true> : vector<16xi1>
      %sort3A_137, %sort3A_138, %sort3A_139 = tpu.sort %gather3A_76, %gather3A_76 masked %sort3A_136 : (vector<16xf32>, vector<16xf32>, vector<16xi1>) -> (vector<16xi1>, vector<16xf32>, vector<16xf32>)
      %sort3A_140 = arith.constant dense<true> : vector<16xi1>
      %sort3A_141, %sort3A_142, %sort3A_143 = tpu.sort %gather3A_80, %gather3A_80 masked %sort3A_140 : (vector<16xf32>, vector<16xf32>, vector<16xi1>) -> (vector<16xi1>, vector<16xf32>, vector<16xf32>)
      %rev3A = arith.constant 15 : i32
      %rev3A_144 = vector.broadcast %rev3A : i32 to vector<16xi32>
      %rev3A_145 = tpu.iota {dimensions = array<i32: 0>} : vector<16xi32>
      %rev3A_146 = arith.subi %rev3A_144, %rev3A_145 : vector<16xi32>
      %rev3A_147 = tpu.dynamic_gather %sort3A_134[%rev3A_146] in [0] : vector<16xf32>, vector<16xi32> -> vector<16xf32>
      %min3A = arith.minimumf %sort3A_130, %rev3A_147 : vector<16xf32>
      %max3A = arith.maximumf %sort3A_130, %rev3A_147 : vector<16xf32>
      %sort3A_148 = arith.constant dense<true> : vector<16xi1>
      %sort3A_149, %sort3A_150, %sort3A_151 = tpu.sort %min3A, %min3A masked %sort3A_148 : (vector<16xf32>, vector<16xf32>, vector<16xi1>) -> (vector<16xi1>, vector<16xf32>, vector<16xf32>)
      %sort3A_152 = arith.constant dense<true> : vector<16xi1>
      %sort3A_153, %sort3A_154, %sort3A_155 = tpu.sort %max3A, %max3A masked %sort3A_152 : (vector<16xf32>, vector<16xf32>, vector<16xi1>) -> (vector<16xi1>, vector<16xf32>, vector<16xf32>)
      %rev3A_156 = arith.constant 15 : i32
      %rev3A_157 = vector.broadcast %rev3A_156 : i32 to vector<16xi32>
      %rev3A_158 = tpu.iota {dimensions = array<i32: 0>} : vector<16xi32>
      %rev3A_159 = arith.subi %rev3A_157, %rev3A_158 : vector<16xi32>
      %rev3A_160 = tpu.dynamic_gather %sort3A_142[%rev3A_159] in [0] : vector<16xf32>, vector<16xi32> -> vector<16xf32>
      %min3A_161 = arith.minimumf %sort3A_138, %rev3A_160 : vector<16xf32>
      %max3A_162 = arith.maximumf %sort3A_138, %rev3A_160 : vector<16xf32>
      %sort3A_163 = arith.constant dense<true> : vector<16xi1>
      %sort3A_164, %sort3A_165, %sort3A_166 = tpu.sort %min3A_161, %min3A_161 masked %sort3A_163 : (vector<16xf32>, vector<16xf32>, vector<16xi1>) -> (vector<16xi1>, vector<16xf32>, vector<16xf32>)
      %sort3A_167 = arith.constant dense<true> : vector<16xi1>
      %sort3A_168, %sort3A_169, %sort3A_170 = tpu.sort %max3A_162, %max3A_162 masked %sort3A_167 : (vector<16xf32>, vector<16xf32>, vector<16xi1>) -> (vector<16xi1>, vector<16xf32>, vector<16xf32>)
      %rev3A_171 = arith.constant 15 : i32
      %rev3A_172 = vector.broadcast %rev3A_171 : i32 to vector<16xi32>
      %rev3A_173 = tpu.iota {dimensions = array<i32: 0>} : vector<16xi32>
      %rev3A_174 = arith.subi %rev3A_172, %rev3A_173 : vector<16xi32>
      %rev3A_175 = tpu.dynamic_gather %sort3A_169[%rev3A_174] in [0] : vector<16xf32>, vector<16xi32> -> vector<16xf32>
      %rev3A_176 = arith.constant 15 : i32
      %rev3A_177 = vector.broadcast %rev3A_176 : i32 to vector<16xi32>
      %rev3A_178 = tpu.iota {dimensions = array<i32: 0>} : vector<16xi32>
      %rev3A_179 = arith.subi %rev3A_177, %rev3A_178 : vector<16xi32>
      %rev3A_180 = tpu.dynamic_gather %sort3A_165[%rev3A_179] in [0] : vector<16xf32>, vector<16xi32> -> vector<16xf32>
      %min3A_181 = arith.minimumf %sort3A_150, %rev3A_175 : vector<16xf32>
      %min3A_182 = arith.minimumf %sort3A_154, %rev3A_180 : vector<16xf32>
      %max3A_183 = arith.maximumf %sort3A_150, %rev3A_175 : vector<16xf32>
      %max3A_184 = arith.maximumf %sort3A_154, %rev3A_180 : vector<16xf32>
      %min3A_185 = arith.minimumf %min3A_181, %min3A_182 : vector<16xf32>
      %max3A_186 = arith.maximumf %min3A_181, %min3A_182 : vector<16xf32>
      %min3A_187 = arith.minimumf %max3A_183, %max3A_184 : vector<16xf32>
      %max3A_188 = arith.maximumf %max3A_183, %max3A_184 : vector<16xf32>
      %sort3A_189 = arith.constant dense<true> : vector<16xi1>
      %sort3A_190, %sort3A_191, %sort3A_192 = tpu.sort %min3A_185, %min3A_185 masked %sort3A_189 : (vector<16xf32>, vector<16xf32>, vector<16xi1>) -> (vector<16xi1>, vector<16xf32>, vector<16xf32>)
      %sort3A_193 = arith.constant dense<true> : vector<16xi1>
      %sort3A_194, %sort3A_195, %sort3A_196 = tpu.sort %max3A_186, %max3A_186 masked %sort3A_193 : (vector<16xf32>, vector<16xf32>, vector<16xi1>) -> (vector<16xi1>, vector<16xf32>, vector<16xf32>)
      %sort3A_197 = arith.constant dense<true> : vector<16xi1>
      %sort3A_198, %sort3A_199, %sort3A_200 = tpu.sort %min3A_187, %min3A_187 masked %sort3A_197 : (vector<16xf32>, vector<16xf32>, vector<16xi1>) -> (vector<16xi1>, vector<16xf32>, vector<16xf32>)
      %sort3A_201 = arith.constant dense<true> : vector<16xi1>
      %sort3A_202, %sort3A_203, %sort3A_204 = tpu.sort %max3A_188, %max3A_188 masked %sort3A_201 : (vector<16xf32>, vector<16xf32>, vector<16xi1>) -> (vector<16xi1>, vector<16xf32>, vector<16xf32>)
      %sort3A_205 = arith.constant dense<true> : vector<16xi1>
      %sort3A_206, %sort3A_207, %sort3A_208 = tpu.sort %gather3A_84, %gather3A_84 masked %sort3A_205 : (vector<16xf32>, vector<16xf32>, vector<16xi1>) -> (vector<16xi1>, vector<16xf32>, vector<16xf32>)
      %sort3A_209 = arith.constant dense<true> : vector<16xi1>
      %sort3A_210, %sort3A_211, %sort3A_212 = tpu.sort %gather3A_88, %gather3A_88 masked %sort3A_209 : (vector<16xf32>, vector<16xf32>, vector<16xi1>) -> (vector<16xi1>, vector<16xf32>, vector<16xf32>)
      %sort3A_213 = arith.constant dense<true> : vector<16xi1>
      %sort3A_214, %sort3A_215, %sort3A_216 = tpu.sort %gather3A_92, %gather3A_92 masked %sort3A_213 : (vector<16xf32>, vector<16xf32>, vector<16xi1>) -> (vector<16xi1>, vector<16xf32>, vector<16xf32>)
      %sort3A_217 = arith.constant dense<true> : vector<16xi1>
      %sort3A_218, %sort3A_219, %sort3A_220 = tpu.sort %gather3A_96, %gather3A_96 masked %sort3A_217 : (vector<16xf32>, vector<16xf32>, vector<16xi1>) -> (vector<16xi1>, vector<16xf32>, vector<16xf32>)
      %rev3A_221 = arith.constant 15 : i32
      %rev3A_222 = vector.broadcast %rev3A_221 : i32 to vector<16xi32>
      %rev3A_223 = tpu.iota {dimensions = array<i32: 0>} : vector<16xi32>
      %rev3A_224 = arith.subi %rev3A_222, %rev3A_223 : vector<16xi32>
      %rev3A_225 = tpu.dynamic_gather %sort3A_211[%rev3A_224] in [0] : vector<16xf32>, vector<16xi32> -> vector<16xf32>
      %min3A_226 = arith.minimumf %sort3A_207, %rev3A_225 : vector<16xf32>
      %max3A_227 = arith.maximumf %sort3A_207, %rev3A_225 : vector<16xf32>
      %sort3A_228 = arith.constant dense<true> : vector<16xi1>
      %sort3A_229, %sort3A_230, %sort3A_231 = tpu.sort %min3A_226, %min3A_226 masked %sort3A_228 : (vector<16xf32>, vector<16xf32>, vector<16xi1>) -> (vector<16xi1>, vector<16xf32>, vector<16xf32>)
      %sort3A_232 = arith.constant dense<true> : vector<16xi1>
      %sort3A_233, %sort3A_234, %sort3A_235 = tpu.sort %max3A_227, %max3A_227 masked %sort3A_232 : (vector<16xf32>, vector<16xf32>, vector<16xi1>) -> (vector<16xi1>, vector<16xf32>, vector<16xf32>)
      %rev3A_236 = arith.constant 15 : i32
      %rev3A_237 = vector.broadcast %rev3A_236 : i32 to vector<16xi32>
      %rev3A_238 = tpu.iota {dimensions = array<i32: 0>} : vector<16xi32>
      %rev3A_239 = arith.subi %rev3A_237, %rev3A_238 : vector<16xi32>
      %rev3A_240 = tpu.dynamic_gather %sort3A_219[%rev3A_239] in [0] : vector<16xf32>, vector<16xi32> -> vector<16xf32>
      %min3A_241 = arith.minimumf %sort3A_215, %rev3A_240 : vector<16xf32>
      %max3A_242 = arith.maximumf %sort3A_215, %rev3A_240 : vector<16xf32>
      %sort3A_243 = arith.constant dense<true> : vector<16xi1>
      %sort3A_244, %sort3A_245, %sort3A_246 = tpu.sort %min3A_241, %min3A_241 masked %sort3A_243 : (vector<16xf32>, vector<16xf32>, vector<16xi1>) -> (vector<16xi1>, vector<16xf32>, vector<16xf32>)
      %sort3A_247 = arith.constant dense<true> : vector<16xi1>
      %sort3A_248, %sort3A_249, %sort3A_250 = tpu.sort %max3A_242, %max3A_242 masked %sort3A_247 : (vector<16xf32>, vector<16xf32>, vector<16xi1>) -> (vector<16xi1>, vector<16xf32>, vector<16xf32>)
      %rev3A_251 = arith.constant 15 : i32
      %rev3A_252 = vector.broadcast %rev3A_251 : i32 to vector<16xi32>
      %rev3A_253 = tpu.iota {dimensions = array<i32: 0>} : vector<16xi32>
      %rev3A_254 = arith.subi %rev3A_252, %rev3A_253 : vector<16xi32>
      %rev3A_255 = tpu.dynamic_gather %sort3A_249[%rev3A_254] in [0] : vector<16xf32>, vector<16xi32> -> vector<16xf32>
      %rev3A_256 = arith.constant 15 : i32
      %rev3A_257 = vector.broadcast %rev3A_256 : i32 to vector<16xi32>
      %rev3A_258 = tpu.iota {dimensions = array<i32: 0>} : vector<16xi32>
      %rev3A_259 = arith.subi %rev3A_257, %rev3A_258 : vector<16xi32>
      %rev3A_260 = tpu.dynamic_gather %sort3A_245[%rev3A_259] in [0] : vector<16xf32>, vector<16xi32> -> vector<16xf32>
      %min3A_261 = arith.minimumf %sort3A_230, %rev3A_255 : vector<16xf32>
      %min3A_262 = arith.minimumf %sort3A_234, %rev3A_260 : vector<16xf32>
      %max3A_263 = arith.maximumf %sort3A_230, %rev3A_255 : vector<16xf32>
      %max3A_264 = arith.maximumf %sort3A_234, %rev3A_260 : vector<16xf32>
      %min3A_265 = arith.minimumf %min3A_261, %min3A_262 : vector<16xf32>
      %max3A_266 = arith.maximumf %min3A_261, %min3A_262 : vector<16xf32>
      %min3A_267 = arith.minimumf %max3A_263, %max3A_264 : vector<16xf32>
      %max3A_268 = arith.maximumf %max3A_263, %max3A_264 : vector<16xf32>
      %sort3A_269 = arith.constant dense<true> : vector<16xi1>
      %sort3A_270, %sort3A_271, %sort3A_272 = tpu.sort %min3A_265, %min3A_265 masked %sort3A_269 : (vector<16xf32>, vector<16xf32>, vector<16xi1>) -> (vector<16xi1>, vector<16xf32>, vector<16xf32>)
      %sort3A_273 = arith.constant dense<true> : vector<16xi1>
      %sort3A_274, %sort3A_275, %sort3A_276 = tpu.sort %max3A_266, %max3A_266 masked %sort3A_273 : (vector<16xf32>, vector<16xf32>, vector<16xi1>) -> (vector<16xi1>, vector<16xf32>, vector<16xf32>)
      %sort3A_277 = arith.constant dense<true> : vector<16xi1>
      %sort3A_278, %sort3A_279, %sort3A_280 = tpu.sort %min3A_267, %min3A_267 masked %sort3A_277 : (vector<16xf32>, vector<16xf32>, vector<16xi1>) -> (vector<16xi1>, vector<16xf32>, vector<16xf32>)
      %sort3A_281 = arith.constant dense<true> : vector<16xi1>
      %sort3A_282, %sort3A_283, %sort3A_284 = tpu.sort %max3A_268, %max3A_268 masked %sort3A_281 : (vector<16xf32>, vector<16xf32>, vector<16xi1>) -> (vector<16xi1>, vector<16xf32>, vector<16xf32>)
      %rev3A_285 = arith.constant 15 : i32
      %rev3A_286 = vector.broadcast %rev3A_285 : i32 to vector<16xi32>
      %rev3A_287 = tpu.iota {dimensions = array<i32: 0>} : vector<16xi32>
      %rev3A_288 = arith.subi %rev3A_286, %rev3A_287 : vector<16xi32>
      %rev3A_289 = tpu.dynamic_gather %sort3A_283[%rev3A_288] in [0] : vector<16xf32>, vector<16xi32> -> vector<16xf32>
      %max3A_290 = arith.maximumf %sort3A_191, %rev3A_289 : vector<16xf32>
      %rev3A_291 = arith.constant 15 : i32
      %rev3A_292 = vector.broadcast %rev3A_291 : i32 to vector<16xi32>
      %rev3A_293 = tpu.iota {dimensions = array<i32: 0>} : vector<16xi32>
      %rev3A_294 = arith.subi %rev3A_292, %rev3A_293 : vector<16xi32>
      %rev3A_295 = tpu.dynamic_gather %sort3A_279[%rev3A_294] in [0] : vector<16xf32>, vector<16xi32> -> vector<16xf32>
      %max3A_296 = arith.maximumf %sort3A_195, %rev3A_295 : vector<16xf32>
      %rev3A_297 = arith.constant 15 : i32
      %rev3A_298 = vector.broadcast %rev3A_297 : i32 to vector<16xi32>
      %rev3A_299 = tpu.iota {dimensions = array<i32: 0>} : vector<16xi32>
      %rev3A_300 = arith.subi %rev3A_298, %rev3A_299 : vector<16xi32>
      %rev3A_301 = tpu.dynamic_gather %sort3A_275[%rev3A_300] in [0] : vector<16xf32>, vector<16xi32> -> vector<16xf32>
      %max3A_302 = arith.maximumf %sort3A_199, %rev3A_301 : vector<16xf32>
      %rev3A_303 = arith.constant 15 : i32
      %rev3A_304 = vector.broadcast %rev3A_303 : i32 to vector<16xi32>
      %rev3A_305 = tpu.iota {dimensions = array<i32: 0>} : vector<16xi32>
      %rev3A_306 = arith.subi %rev3A_304, %rev3A_305 : vector<16xi32>
      %rev3A_307 = tpu.dynamic_gather %sort3A_271[%rev3A_306] in [0] : vector<16xf32>, vector<16xi32> -> vector<16xf32>
      %max3A_308 = arith.maximumf %sort3A_203, %rev3A_307 : vector<16xf32>
      %min3A_309 = arith.minimumf %max3A_290, %max3A_302 : vector<16xf32>
      %max3A_310 = arith.maximumf %max3A_290, %max3A_302 : vector<16xf32>
      %min3A_311 = arith.minimumf %max3A_296, %max3A_308 : vector<16xf32>
      %max3A_312 = arith.maximumf %max3A_296, %max3A_308 : vector<16xf32>
      %min3A_313 = arith.minimumf %min3A_309, %min3A_311 : vector<16xf32>
      %max3A_314 = arith.maximumf %min3A_309, %min3A_311 : vector<16xf32>
      %min3A_315 = arith.minimumf %max3A_310, %max3A_312 : vector<16xf32>
      %max3A_316 = arith.maximumf %max3A_310, %max3A_312 : vector<16xf32>
      %sort3A_317 = arith.constant dense<true> : vector<16xi1>
      %sort3A_318, %sort3A_319, %sort3A_320 = tpu.sort %min3A_313, %min3A_313 masked %sort3A_317 : (vector<16xf32>, vector<16xf32>, vector<16xi1>) -> (vector<16xi1>, vector<16xf32>, vector<16xf32>)
      %sort3A_321 = arith.constant dense<true> : vector<16xi1>
      %sort3A_322, %sort3A_323, %sort3A_324 = tpu.sort %max3A_314, %max3A_314 masked %sort3A_321 : (vector<16xf32>, vector<16xf32>, vector<16xi1>) -> (vector<16xi1>, vector<16xf32>, vector<16xf32>)
      %sort3A_325 = arith.constant dense<true> : vector<16xi1>
      %sort3A_326, %sort3A_327, %sort3A_328 = tpu.sort %min3A_315, %min3A_315 masked %sort3A_325 : (vector<16xf32>, vector<16xf32>, vector<16xi1>) -> (vector<16xi1>, vector<16xf32>, vector<16xf32>)
      %sort3A_329 = arith.constant dense<true> : vector<16xi1>
      %sort3A_330, %sort3A_331, %sort3A_332 = tpu.sort %max3A_316, %max3A_316 masked %sort3A_329 : (vector<16xf32>, vector<16xf32>, vector<16xi1>) -> (vector<16xi1>, vector<16xf32>, vector<16xf32>)
      %sort3A_333 = arith.constant dense<true> : vector<16xi1>
      %sort3A_334, %sort3A_335, %sort3A_336 = tpu.sort %gather3A_100, %gather3A_100 masked %sort3A_333 : (vector<16xf32>, vector<16xf32>, vector<16xi1>) -> (vector<16xi1>, vector<16xf32>, vector<16xf32>)
      %sort3A_337 = arith.constant dense<true> : vector<16xi1>
      %sort3A_338, %sort3A_339, %sort3A_340 = tpu.sort %gather3A_104, %gather3A_104 masked %sort3A_337 : (vector<16xf32>, vector<16xf32>, vector<16xi1>) -> (vector<16xi1>, vector<16xf32>, vector<16xf32>)
      %sort3A_341 = arith.constant dense<true> : vector<16xi1>
      %sort3A_342, %sort3A_343, %sort3A_344 = tpu.sort %gather3A_108, %gather3A_108 masked %sort3A_341 : (vector<16xf32>, vector<16xf32>, vector<16xi1>) -> (vector<16xi1>, vector<16xf32>, vector<16xf32>)
      %sort3A_345 = arith.constant dense<true> : vector<16xi1>
      %sort3A_346, %sort3A_347, %sort3A_348 = tpu.sort %gather3A_112, %gather3A_112 masked %sort3A_345 : (vector<16xf32>, vector<16xf32>, vector<16xi1>) -> (vector<16xi1>, vector<16xf32>, vector<16xf32>)
      %rev3A_349 = arith.constant 15 : i32
      %rev3A_350 = vector.broadcast %rev3A_349 : i32 to vector<16xi32>
      %rev3A_351 = tpu.iota {dimensions = array<i32: 0>} : vector<16xi32>
      %rev3A_352 = arith.subi %rev3A_350, %rev3A_351 : vector<16xi32>
      %rev3A_353 = tpu.dynamic_gather %sort3A_339[%rev3A_352] in [0] : vector<16xf32>, vector<16xi32> -> vector<16xf32>
      %min3A_354 = arith.minimumf %sort3A_335, %rev3A_353 : vector<16xf32>
      %max3A_355 = arith.maximumf %sort3A_335, %rev3A_353 : vector<16xf32>
      %sort3A_356 = arith.constant dense<true> : vector<16xi1>
      %sort3A_357, %sort3A_358, %sort3A_359 = tpu.sort %min3A_354, %min3A_354 masked %sort3A_356 : (vector<16xf32>, vector<16xf32>, vector<16xi1>) -> (vector<16xi1>, vector<16xf32>, vector<16xf32>)
      %sort3A_360 = arith.constant dense<true> : vector<16xi1>
      %sort3A_361, %sort3A_362, %sort3A_363 = tpu.sort %max3A_355, %max3A_355 masked %sort3A_360 : (vector<16xf32>, vector<16xf32>, vector<16xi1>) -> (vector<16xi1>, vector<16xf32>, vector<16xf32>)
      %rev3A_364 = arith.constant 15 : i32
      %rev3A_365 = vector.broadcast %rev3A_364 : i32 to vector<16xi32>
      %rev3A_366 = tpu.iota {dimensions = array<i32: 0>} : vector<16xi32>
      %rev3A_367 = arith.subi %rev3A_365, %rev3A_366 : vector<16xi32>
      %rev3A_368 = tpu.dynamic_gather %sort3A_347[%rev3A_367] in [0] : vector<16xf32>, vector<16xi32> -> vector<16xf32>
      %min3A_369 = arith.minimumf %sort3A_343, %rev3A_368 : vector<16xf32>
      %max3A_370 = arith.maximumf %sort3A_343, %rev3A_368 : vector<16xf32>
      %sort3A_371 = arith.constant dense<true> : vector<16xi1>
      %sort3A_372, %sort3A_373, %sort3A_374 = tpu.sort %min3A_369, %min3A_369 masked %sort3A_371 : (vector<16xf32>, vector<16xf32>, vector<16xi1>) -> (vector<16xi1>, vector<16xf32>, vector<16xf32>)
      %sort3A_375 = arith.constant dense<true> : vector<16xi1>
      %sort3A_376, %sort3A_377, %sort3A_378 = tpu.sort %max3A_370, %max3A_370 masked %sort3A_375 : (vector<16xf32>, vector<16xf32>, vector<16xi1>) -> (vector<16xi1>, vector<16xf32>, vector<16xf32>)
      %rev3A_379 = arith.constant 15 : i32
      %rev3A_380 = vector.broadcast %rev3A_379 : i32 to vector<16xi32>
      %rev3A_381 = tpu.iota {dimensions = array<i32: 0>} : vector<16xi32>
      %rev3A_382 = arith.subi %rev3A_380, %rev3A_381 : vector<16xi32>
      %rev3A_383 = tpu.dynamic_gather %sort3A_377[%rev3A_382] in [0] : vector<16xf32>, vector<16xi32> -> vector<16xf32>
      %rev3A_384 = arith.constant 15 : i32
      %rev3A_385 = vector.broadcast %rev3A_384 : i32 to vector<16xi32>
      %rev3A_386 = tpu.iota {dimensions = array<i32: 0>} : vector<16xi32>
      %rev3A_387 = arith.subi %rev3A_385, %rev3A_386 : vector<16xi32>
      %rev3A_388 = tpu.dynamic_gather %sort3A_373[%rev3A_387] in [0] : vector<16xf32>, vector<16xi32> -> vector<16xf32>
      %min3A_389 = arith.minimumf %sort3A_358, %rev3A_383 : vector<16xf32>
      %min3A_390 = arith.minimumf %sort3A_362, %rev3A_388 : vector<16xf32>
      %max3A_391 = arith.maximumf %sort3A_358, %rev3A_383 : vector<16xf32>
      %max3A_392 = arith.maximumf %sort3A_362, %rev3A_388 : vector<16xf32>
      %min3A_393 = arith.minimumf %min3A_389, %min3A_390 : vector<16xf32>
      %max3A_394 = arith.maximumf %min3A_389, %min3A_390 : vector<16xf32>
      %min3A_395 = arith.minimumf %max3A_391, %max3A_392 : vector<16xf32>
      %max3A_396 = arith.maximumf %max3A_391, %max3A_392 : vector<16xf32>
      %sort3A_397 = arith.constant dense<true> : vector<16xi1>
      %sort3A_398, %sort3A_399, %sort3A_400 = tpu.sort %min3A_393, %min3A_393 masked %sort3A_397 : (vector<16xf32>, vector<16xf32>, vector<16xi1>) -> (vector<16xi1>, vector<16xf32>, vector<16xf32>)
      %sort3A_401 = arith.constant dense<true> : vector<16xi1>
      %sort3A_402, %sort3A_403, %sort3A_404 = tpu.sort %max3A_394, %max3A_394 masked %sort3A_401 : (vector<16xf32>, vector<16xf32>, vector<16xi1>) -> (vector<16xi1>, vector<16xf32>, vector<16xf32>)
      %sort3A_405 = arith.constant dense<true> : vector<16xi1>
      %sort3A_406, %sort3A_407, %sort3A_408 = tpu.sort %min3A_395, %min3A_395 masked %sort3A_405 : (vector<16xf32>, vector<16xf32>, vector<16xi1>) -> (vector<16xi1>, vector<16xf32>, vector<16xf32>)
      %sort3A_409 = arith.constant dense<true> : vector<16xi1>
      %sort3A_410, %sort3A_411, %sort3A_412 = tpu.sort %max3A_396, %max3A_396 masked %sort3A_409 : (vector<16xf32>, vector<16xf32>, vector<16xi1>) -> (vector<16xi1>, vector<16xf32>, vector<16xf32>)
      %sort3A_413 = arith.constant dense<true> : vector<16xi1>
      %sort3A_414, %sort3A_415, %sort3A_416 = tpu.sort %gather3A_116, %gather3A_116 masked %sort3A_413 : (vector<16xf32>, vector<16xf32>, vector<16xi1>) -> (vector<16xi1>, vector<16xf32>, vector<16xf32>)
      %sort3A_417 = arith.constant dense<true> : vector<16xi1>
      %sort3A_418, %sort3A_419, %sort3A_420 = tpu.sort %gather3A_120, %gather3A_120 masked %sort3A_417 : (vector<16xf32>, vector<16xf32>, vector<16xi1>) -> (vector<16xi1>, vector<16xf32>, vector<16xf32>)
      %sort3A_421 = arith.constant dense<true> : vector<16xi1>
      %sort3A_422, %sort3A_423, %sort3A_424 = tpu.sort %gather3A_124, %gather3A_124 masked %sort3A_421 : (vector<16xf32>, vector<16xf32>, vector<16xi1>) -> (vector<16xi1>, vector<16xf32>, vector<16xf32>)
      %sort3A_425 = arith.constant dense<true> : vector<16xi1>
      %sort3A_426, %sort3A_427, %sort3A_428 = tpu.sort %gather3A_128, %gather3A_128 masked %sort3A_425 : (vector<16xf32>, vector<16xf32>, vector<16xi1>) -> (vector<16xi1>, vector<16xf32>, vector<16xf32>)
      %rev3A_429 = arith.constant 15 : i32
      %rev3A_430 = vector.broadcast %rev3A_429 : i32 to vector<16xi32>
      %rev3A_431 = tpu.iota {dimensions = array<i32: 0>} : vector<16xi32>
      %rev3A_432 = arith.subi %rev3A_430, %rev3A_431 : vector<16xi32>
      %rev3A_433 = tpu.dynamic_gather %sort3A_419[%rev3A_432] in [0] : vector<16xf32>, vector<16xi32> -> vector<16xf32>
      %min3A_434 = arith.minimumf %sort3A_415, %rev3A_433 : vector<16xf32>
      %max3A_435 = arith.maximumf %sort3A_415, %rev3A_433 : vector<16xf32>
      %sort3A_436 = arith.constant dense<true> : vector<16xi1>
      %sort3A_437, %sort3A_438, %sort3A_439 = tpu.sort %min3A_434, %min3A_434 masked %sort3A_436 : (vector<16xf32>, vector<16xf32>, vector<16xi1>) -> (vector<16xi1>, vector<16xf32>, vector<16xf32>)
      %sort3A_440 = arith.constant dense<true> : vector<16xi1>
      %sort3A_441, %sort3A_442, %sort3A_443 = tpu.sort %max3A_435, %max3A_435 masked %sort3A_440 : (vector<16xf32>, vector<16xf32>, vector<16xi1>) -> (vector<16xi1>, vector<16xf32>, vector<16xf32>)
      %rev3A_444 = arith.constant 15 : i32
      %rev3A_445 = vector.broadcast %rev3A_444 : i32 to vector<16xi32>
      %rev3A_446 = tpu.iota {dimensions = array<i32: 0>} : vector<16xi32>
      %rev3A_447 = arith.subi %rev3A_445, %rev3A_446 : vector<16xi32>
      %rev3A_448 = tpu.dynamic_gather %sort3A_427[%rev3A_447] in [0] : vector<16xf32>, vector<16xi32> -> vector<16xf32>
      %min3A_449 = arith.minimumf %sort3A_423, %rev3A_448 : vector<16xf32>
      %max3A_450 = arith.maximumf %sort3A_423, %rev3A_448 : vector<16xf32>
      %sort3A_451 = arith.constant dense<true> : vector<16xi1>
      %sort3A_452, %sort3A_453, %sort3A_454 = tpu.sort %min3A_449, %min3A_449 masked %sort3A_451 : (vector<16xf32>, vector<16xf32>, vector<16xi1>) -> (vector<16xi1>, vector<16xf32>, vector<16xf32>)
      %sort3A_455 = arith.constant dense<true> : vector<16xi1>
      %sort3A_456, %sort3A_457, %sort3A_458 = tpu.sort %max3A_450, %max3A_450 masked %sort3A_455 : (vector<16xf32>, vector<16xf32>, vector<16xi1>) -> (vector<16xi1>, vector<16xf32>, vector<16xf32>)
      %rev3A_459 = arith.constant 15 : i32
      %rev3A_460 = vector.broadcast %rev3A_459 : i32 to vector<16xi32>
      %rev3A_461 = tpu.iota {dimensions = array<i32: 0>} : vector<16xi32>
      %rev3A_462 = arith.subi %rev3A_460, %rev3A_461 : vector<16xi32>
      %rev3A_463 = tpu.dynamic_gather %sort3A_457[%rev3A_462] in [0] : vector<16xf32>, vector<16xi32> -> vector<16xf32>
      %rev3A_464 = arith.constant 15 : i32
      %rev3A_465 = vector.broadcast %rev3A_464 : i32 to vector<16xi32>
      %rev3A_466 = tpu.iota {dimensions = array<i32: 0>} : vector<16xi32>
      %rev3A_467 = arith.subi %rev3A_465, %rev3A_466 : vector<16xi32>
      %rev3A_468 = tpu.dynamic_gather %sort3A_453[%rev3A_467] in [0] : vector<16xf32>, vector<16xi32> -> vector<16xf32>
      %min3A_469 = arith.minimumf %sort3A_438, %rev3A_463 : vector<16xf32>
      %min3A_470 = arith.minimumf %sort3A_442, %rev3A_468 : vector<16xf32>
      %max3A_471 = arith.maximumf %sort3A_438, %rev3A_463 : vector<16xf32>
      %max3A_472 = arith.maximumf %sort3A_442, %rev3A_468 : vector<16xf32>
      %min3A_473 = arith.minimumf %min3A_469, %min3A_470 : vector<16xf32>
      %max3A_474 = arith.maximumf %min3A_469, %min3A_470 : vector<16xf32>
      %min3A_475 = arith.minimumf %max3A_471, %max3A_472 : vector<16xf32>
      %max3A_476 = arith.maximumf %max3A_471, %max3A_472 : vector<16xf32>
      %sort3A_477 = arith.constant dense<true> : vector<16xi1>
      %sort3A_478, %sort3A_479, %sort3A_480 = tpu.sort %min3A_473, %min3A_473 masked %sort3A_477 : (vector<16xf32>, vector<16xf32>, vector<16xi1>) -> (vector<16xi1>, vector<16xf32>, vector<16xf32>)
      %sort3A_481 = arith.constant dense<true> : vector<16xi1>
      %sort3A_482, %sort3A_483, %sort3A_484 = tpu.sort %max3A_474, %max3A_474 masked %sort3A_481 : (vector<16xf32>, vector<16xf32>, vector<16xi1>) -> (vector<16xi1>, vector<16xf32>, vector<16xf32>)
      %sort3A_485 = arith.constant dense<true> : vector<16xi1>
      %sort3A_486, %sort3A_487, %sort3A_488 = tpu.sort %min3A_475, %min3A_475 masked %sort3A_485 : (vector<16xf32>, vector<16xf32>, vector<16xi1>) -> (vector<16xi1>, vector<16xf32>, vector<16xf32>)
      %sort3A_489 = arith.constant dense<true> : vector<16xi1>
      %sort3A_490, %sort3A_491, %sort3A_492 = tpu.sort %max3A_476, %max3A_476 masked %sort3A_489 : (vector<16xf32>, vector<16xf32>, vector<16xi1>) -> (vector<16xi1>, vector<16xf32>, vector<16xf32>)
      %rev3A_493 = arith.constant 15 : i32
      %rev3A_494 = vector.broadcast %rev3A_493 : i32 to vector<16xi32>
      %rev3A_495 = tpu.iota {dimensions = array<i32: 0>} : vector<16xi32>
      %rev3A_496 = arith.subi %rev3A_494, %rev3A_495 : vector<16xi32>
      %rev3A_497 = tpu.dynamic_gather %sort3A_491[%rev3A_496] in [0] : vector<16xf32>, vector<16xi32> -> vector<16xf32>
      %max3A_498 = arith.maximumf %sort3A_399, %rev3A_497 : vector<16xf32>
      %rev3A_499 = arith.constant 15 : i32
      %rev3A_500 = vector.broadcast %rev3A_499 : i32 to vector<16xi32>
      %rev3A_501 = tpu.iota {dimensions = array<i32: 0>} : vector<16xi32>
      %rev3A_502 = arith.subi %rev3A_500, %rev3A_501 : vector<16xi32>
      %rev3A_503 = tpu.dynamic_gather %sort3A_487[%rev3A_502] in [0] : vector<16xf32>, vector<16xi32> -> vector<16xf32>
      %max3A_504 = arith.maximumf %sort3A_403, %rev3A_503 : vector<16xf32>
      %rev3A_505 = arith.constant 15 : i32
      %rev3A_506 = vector.broadcast %rev3A_505 : i32 to vector<16xi32>
      %rev3A_507 = tpu.iota {dimensions = array<i32: 0>} : vector<16xi32>
      %rev3A_508 = arith.subi %rev3A_506, %rev3A_507 : vector<16xi32>
      %rev3A_509 = tpu.dynamic_gather %sort3A_483[%rev3A_508] in [0] : vector<16xf32>, vector<16xi32> -> vector<16xf32>
      %max3A_510 = arith.maximumf %sort3A_407, %rev3A_509 : vector<16xf32>
      %rev3A_511 = arith.constant 15 : i32
      %rev3A_512 = vector.broadcast %rev3A_511 : i32 to vector<16xi32>
      %rev3A_513 = tpu.iota {dimensions = array<i32: 0>} : vector<16xi32>
      %rev3A_514 = arith.subi %rev3A_512, %rev3A_513 : vector<16xi32>
      %rev3A_515 = tpu.dynamic_gather %sort3A_479[%rev3A_514] in [0] : vector<16xf32>, vector<16xi32> -> vector<16xf32>
      %max3A_516 = arith.maximumf %sort3A_411, %rev3A_515 : vector<16xf32>
      %min3A_517 = arith.minimumf %max3A_498, %max3A_510 : vector<16xf32>
      %max3A_518 = arith.maximumf %max3A_498, %max3A_510 : vector<16xf32>
      %min3A_519 = arith.minimumf %max3A_504, %max3A_516 : vector<16xf32>
      %max3A_520 = arith.maximumf %max3A_504, %max3A_516 : vector<16xf32>
      %min3A_521 = arith.minimumf %min3A_517, %min3A_519 : vector<16xf32>
      %max3A_522 = arith.maximumf %min3A_517, %min3A_519 : vector<16xf32>
      %min3A_523 = arith.minimumf %max3A_518, %max3A_520 : vector<16xf32>
      %max3A_524 = arith.maximumf %max3A_518, %max3A_520 : vector<16xf32>
      %sort3A_525 = arith.constant dense<true> : vector<16xi1>
      %sort3A_526, %sort3A_527, %sort3A_528 = tpu.sort %min3A_521, %min3A_521 masked %sort3A_525 : (vector<16xf32>, vector<16xf32>, vector<16xi1>) -> (vector<16xi1>, vector<16xf32>, vector<16xf32>)
      %sort3A_529 = arith.constant dense<true> : vector<16xi1>
      %sort3A_530, %sort3A_531, %sort3A_532 = tpu.sort %max3A_522, %max3A_522 masked %sort3A_529 : (vector<16xf32>, vector<16xf32>, vector<16xi1>) -> (vector<16xi1>, vector<16xf32>, vector<16xf32>)
      %sort3A_533 = arith.constant dense<true> : vector<16xi1>
      %sort3A_534, %sort3A_535, %sort3A_536 = tpu.sort %min3A_523, %min3A_523 masked %sort3A_533 : (vector<16xf32>, vector<16xf32>, vector<16xi1>) -> (vector<16xi1>, vector<16xf32>, vector<16xf32>)
      %sort3A_537 = arith.constant dense<true> : vector<16xi1>
      %sort3A_538, %sort3A_539, %sort3A_540 = tpu.sort %max3A_524, %max3A_524 masked %sort3A_537 : (vector<16xf32>, vector<16xf32>, vector<16xi1>) -> (vector<16xi1>, vector<16xf32>, vector<16xf32>)
      %rev3A_541 = arith.constant 15 : i32
      %rev3A_542 = vector.broadcast %rev3A_541 : i32 to vector<16xi32>
      %rev3A_543 = tpu.iota {dimensions = array<i32: 0>} : vector<16xi32>
      %rev3A_544 = arith.subi %rev3A_542, %rev3A_543 : vector<16xi32>
      %rev3A_545 = tpu.dynamic_gather %sort3A_539[%rev3A_544] in [0] : vector<16xf32>, vector<16xi32> -> vector<16xf32>
      %max3A_546 = arith.maximumf %sort3A_319, %rev3A_545 : vector<16xf32>
      %rev3A_547 = arith.constant 15 : i32
      %rev3A_548 = vector.broadcast %rev3A_547 : i32 to vector<16xi32>
      %rev3A_549 = tpu.iota {dimensions = array<i32: 0>} : vector<16xi32>
      %rev3A_550 = arith.subi %rev3A_548, %rev3A_549 : vector<16xi32>
      %rev3A_551 = tpu.dynamic_gather %sort3A_535[%rev3A_550] in [0] : vector<16xf32>, vector<16xi32> -> vector<16xf32>
      %max3A_552 = arith.maximumf %sort3A_323, %rev3A_551 : vector<16xf32>
      %rev3A_553 = arith.constant 15 : i32
      %rev3A_554 = vector.broadcast %rev3A_553 : i32 to vector<16xi32>
      %rev3A_555 = tpu.iota {dimensions = array<i32: 0>} : vector<16xi32>
      %rev3A_556 = arith.subi %rev3A_554, %rev3A_555 : vector<16xi32>
      %rev3A_557 = tpu.dynamic_gather %sort3A_531[%rev3A_556] in [0] : vector<16xf32>, vector<16xi32> -> vector<16xf32>
      %max3A_558 = arith.maximumf %sort3A_327, %rev3A_557 : vector<16xf32>
      %rev3A_559 = arith.constant 15 : i32
      %rev3A_560 = vector.broadcast %rev3A_559 : i32 to vector<16xi32>
      %rev3A_561 = tpu.iota {dimensions = array<i32: 0>} : vector<16xi32>
      %rev3A_562 = arith.subi %rev3A_560, %rev3A_561 : vector<16xi32>
      %rev3A_563 = tpu.dynamic_gather %sort3A_527[%rev3A_562] in [0] : vector<16xf32>, vector<16xi32> -> vector<16xf32>
      %max3A_564 = arith.maximumf %sort3A_331, %rev3A_563 : vector<16xf32>
      %min3A_565 = arith.minimumf %max3A_546, %max3A_558 : vector<16xf32>
      %max3A_566 = arith.maximumf %max3A_546, %max3A_558 : vector<16xf32>
      %min3A_567 = arith.minimumf %max3A_552, %max3A_564 : vector<16xf32>
      %max3A_568 = arith.maximumf %max3A_552, %max3A_564 : vector<16xf32>
      %min3A_569 = arith.minimumf %min3A_565, %min3A_567 : vector<16xf32>
      %max3A_570 = arith.maximumf %min3A_565, %min3A_567 : vector<16xf32>
      %min3A_571 = arith.minimumf %max3A_566, %max3A_568 : vector<16xf32>
      %max3A_572 = arith.maximumf %max3A_566, %max3A_568 : vector<16xf32>
      %sort3A_573 = arith.constant dense<true> : vector<16xi1>
      %sort3A_574, %sort3A_575, %sort3A_576 = tpu.sort %min3A_569, %min3A_569 masked %sort3A_573 : (vector<16xf32>, vector<16xf32>, vector<16xi1>) -> (vector<16xi1>, vector<16xf32>, vector<16xf32>)
      %sort3A_577 = arith.constant dense<true> : vector<16xi1>
      %sort3A_578, %sort3A_579, %sort3A_580 = tpu.sort %max3A_570, %max3A_570 masked %sort3A_577 : (vector<16xf32>, vector<16xf32>, vector<16xi1>) -> (vector<16xi1>, vector<16xf32>, vector<16xf32>)
      %sort3A_581 = arith.constant dense<true> : vector<16xi1>
      %sort3A_582, %sort3A_583, %sort3A_584 = tpu.sort %min3A_571, %min3A_571 masked %sort3A_581 : (vector<16xf32>, vector<16xf32>, vector<16xi1>) -> (vector<16xi1>, vector<16xf32>, vector<16xf32>)
      %sort3A_585 = arith.constant dense<true> : vector<16xi1>
      %sort3A_586, %sort3A_587, %sort3A_588 = tpu.sort %max3A_572, %max3A_572 masked %sort3A_585 : (vector<16xf32>, vector<16xf32>, vector<16xi1>) -> (vector<16xi1>, vector<16xf32>, vector<16xf32>)
      %swap3A = arith.index_cast %scan3A_63 : i32 to index
      %swap3A_589 = arith.constant 0 : index
      %swap3A_590 = tpu.vector_load %arg5[%swap3A, %swap3A_589] {strides = array<i32>} : memref<128x64xf32, #tpu.memory_space<vmem>>, vector<16xf32>,
      tpu.vector_store %arg5[%swap3A, %swap3A_589], %sort3A_575 {strides = array<i32>} : memref<128x64xf32, #tpu.memory_space<vmem>>, vector<16xf32>,
      %swap3A_591 = arith.index_cast %scan3A_63 : i32 to index
      %swap3A_592 = arith.constant 16 : index
      %swap3A_593 = tpu.vector_load %arg5[%swap3A_591, %swap3A_592] {strides = array<i32>} : memref<128x64xf32, #tpu.memory_space<vmem>>, vector<16xf32>,
      tpu.vector_store %arg5[%swap3A_591, %swap3A_592], %sort3A_579 {strides = array<i32>} : memref<128x64xf32, #tpu.memory_space<vmem>>, vector<16xf32>,
      %swap3A_594 = arith.index_cast %scan3A_63 : i32 to index
      %swap3A_595 = arith.constant 32 : index
      %swap3A_596 = tpu.vector_load %arg5[%swap3A_594, %swap3A_595] {strides = array<i32>} : memref<128x64xf32, #tpu.memory_space<vmem>>, vector<16xf32>,
      tpu.vector_store %arg5[%swap3A_594, %swap3A_595], %sort3A_583 {strides = array<i32>} : memref<128x64xf32, #tpu.memory_space<vmem>>, vector<16xf32>,
      %swap3A_597 = arith.index_cast %scan3A_63 : i32 to index
      %swap3A_598 = arith.constant 48 : index
      %swap3A_599 = tpu.vector_load %arg5[%swap3A_597, %swap3A_598] {strides = array<i32>} : memref<128x64xf32, #tpu.memory_space<vmem>>, vector<16xf32>,
      tpu.vector_store %arg5[%swap3A_597, %swap3A_598], %sort3A_587 {strides = array<i32>} : memref<128x64xf32, #tpu.memory_space<vmem>>, vector<16xf32>,
      %scan3A_600 = arith.constant 0 : i32
      scf.yield %scan3A_600 : i32
    }
    %scan3A_41 = arith.constant 128 : i32
    %scan3A_42 = arith.constant 0 : i32
    %scan3A_43 = arith.constant 1 : i32
    %scan3A_44 = arith.constant 7 : i32
    %scan3A_45 = arith.addi %scan3A_43, %scan3A_44 : i32
    %scan3A_46 = arith.constant 1 : i32
    %scan3A_47 = scf.for %scan3A_63 = %scan3A_43 to %scan3A_45 step %scan3A_46 iter_args(%scan3A_64 = %scan3A_42) -> (i32)  : i32 {
      %mul3A_65 = arith.constant 256 : i32
      %mul3A_66 = arith.muli %scan3A_63, %mul3A_65 : i32
      %multiple_of3A_67 = tpu.assume_multiple %mul3A_66, 256 : i32
      "tpu.region"() ({
        %run_scoped3A = tpu.sem_alloc : memref<!tpu.dma_semaphore, #tpu.memory_space<semaphore_mem>>
        %dma_start3A = arith.constant 0 : i32
        %dma_start3A_76 = arith.constant 0 : i32
        %dma_start3A_77 = tpu.memref_slice %arg4[%dma_start3A, %dma_start3A_76] : memref<256x129xf32, #tpu.memory_space<vmem>> -> memref<256x128xf32, #tpu.memory_space<vmem>>
        %dma_start3A_78 = tpu.memref_slice %arg2[%select_n3A, %multiple_of3A_67, %multiple_of3A] : memref<4x2048x1024xf32, #tpu.memory_space<hbm>> -> memref<1x256x128xf32, #tpu.memory_space<hbm>>
        %dma_start3A_79 = tpu.memref_squeeze %dma_start3A_78 : memref<1x256x128xf32, #tpu.memory_space<hbm>> -> memref<256x128xf32, #tpu.memory_space<hbm>>
        %dma_start3A_80 = arith.constant 0 : i32
        %dma_start3A_81 = arith.constant 0 : i32
        %dma_start3A_82 = tpu.memref_slice %arg4[%dma_start3A_80, %dma_start3A_81] : memref<256x129xf32, #tpu.memory_space<vmem>> -> memref<256x128xf32, #tpu.memory_space<vmem>>
        %dma_start3A_83 = tpu.memref_slice %arg2[%select_n3A, %multiple_of3A_67, %multiple_of3A] : memref<4x2048x1024xf32, #tpu.memory_space<hbm>> -> memref<1x256x128xf32, #tpu.memory_space<hbm>>
        %dma_start3A_84 = tpu.memref_squeeze %dma_start3A_83 : memref<1x256x128xf32, #tpu.memory_space<hbm>> -> memref<256x128xf32, #tpu.memory_space<hbm>>
        tpu.enqueue_dma source(%dma_start3A_84 : memref<256x128xf32, #tpu.memory_space<hbm>>) target(%dma_start3A_82 : memref<256x128xf32, #tpu.memory_space<vmem>>) target_semaphore(%run_scoped3A : memref<!tpu.dma_semaphore, #tpu.memory_space<semaphore_mem>>)
        %dma_wait3A = arith.constant 0 : i32
        %dma_wait3A_85 = arith.constant 0 : i32
        %dma_wait3A_86 = tpu.memref_slice %arg4[%dma_wait3A, %dma_wait3A_85] : memref<256x129xf32, #tpu.memory_space<vmem>> -> memref<256x128xf32, #tpu.memory_space<vmem>>
        %dma_wait3A_87 = tpu.memref_slice %arg2[%select_n3A, %multiple_of3A_67, %multiple_of3A] : memref<4x2048x1024xf32, #tpu.memory_space<hbm>> -> memref<1x256x128xf32, #tpu.memory_space<hbm>>
        %dma_wait3A_88 = tpu.memref_squeeze %dma_wait3A_87 : memref<1x256x128xf32, #tpu.memory_space<hbm>> -> memref<256x128xf32, #tpu.memory_space<hbm>>
        %dma_wait3A_89 = arith.constant 0 : i32
        %dma_wait3A_90 = arith.constant 0 : i32
        %dma_wait3A_91 = tpu.memref_slice %arg4[%dma_wait3A_89, %dma_wait3A_90] : memref<256x129xf32, #tpu.memory_space<vmem>> -> memref<256x128xf32, #tpu.memory_space<vmem>>
        %dma_wait3A_92 = tpu.memref_slice %arg2[%select_n3A, %multiple_of3A_67, %multiple_of3A] : memref<4x2048x1024xf32, #tpu.memory_space<hbm>> -> memref<1x256x128xf32, #tpu.memory_space<hbm>>
        %dma_wait3A_93 = tpu.memref_squeeze %dma_wait3A_92 : memref<1x256x128xf32, #tpu.memory_space<hbm>> -> memref<256x128xf32, #tpu.memory_space<hbm>>
        tpu.wait_dma2 semaphore(%run_scoped3A : memref<!tpu.dma_semaphore, #tpu.memory_space<semaphore_mem>>) src(%dma_wait3A_93 : memref<256x128xf32, #tpu.memory_space<hbm>>) dst(%dma_wait3A_91 : memref<256x128xf32, #tpu.memory_space<vmem>>)
        tpu.yield
      }) : () -> ()
      %scan3A_68 = arith.constant 0 : i32
      %scan3A_69 = arith.constant 0 : i32
      %scan3A_70 = arith.constant 8 : i32
      %scan3A_71 = arith.addi %scan3A_69, %scan3A_70 : i32
      %scan3A_72 = arith.constant 1 : i32
      %scan3A_73 = scf.for %scan3A_76 = %scan3A_69 to %scan3A_71 step %scan3A_72 iter_args(%scan3A_77 = %scan3A_68) -> (i32)  : i32 {
        %mul3A_78 = arith.constant 16 : i32
        %mul3A_79 = arith.muli %scan3A_76, %mul3A_78 : i32
        %add3A_80 = vector.broadcast %mul3A_79 : i32 to vector<16xi32>
        %add3A_81 = arith.addi %add3A_80, %iota3A : vector<16xi32>
        %broadcast_in_dim3A_82 = arith.constant 0 : i32
        %broadcast_in_dim3A_83 = vector.broadcast %broadcast_in_dim3A_82 : i32 to vector<16xi32>
        %gather3A = tpu.vector_load_idx %arg5[%add3A_81, %broadcast_in_dim3A_83] : memref<128x64xf32, #tpu.memory_space<vmem>>[vector<16xi32>, vector<16xi32>], vector<16xf32>,
        %broadcast_in_dim3A_84 = arith.constant 0 : i32
        %broadcast_in_dim3A_85 = vector.broadcast %broadcast_in_dim3A_84 : i32 to vector<16xi32>
        %scan3A_86 = arith.constant 0 : i32
        %scan3A_87 = arith.constant 32 : i32
        %scan3A_88 = arith.addi %scan3A_86, %scan3A_87 : i32
        %scan3A_89 = arith.constant 1 : i32
        %scan3A_90 = scf.for %scan3A_95 = %scan3A_86 to %scan3A_88 step %scan3A_89 iter_args(%scan3A_96 = %broadcast_in_dim3A_85) -> (vector<16xi32>)  : i32 {
          %mul3A_97 = arith.constant 8 : i32
          %mul3A_98 = arith.muli %scan3A_95, %mul3A_97 : i32
          %add3A_99 = arith.constant 0 : i32
          %add3A_100 = arith.addi %mul3A_98, %add3A_99 : i32
          %mul3A_101 = arith.constant 16 : i32
          %mul3A_102 = arith.muli %scan3A_76, %mul3A_101 : i32
          %get3A = arith.index_cast %add3A_100 : i32 to index
          %get3A_103 = arith.index_cast %mul3A_102 : i32 to index
          %get3A_104 = tpu.vector_load %arg4[%get3A, %get3A_103] {strides = array<i32>} : memref<256x129xf32, #tpu.memory_space<vmem>>, vector<16xf32>,
          %mul3A_105 = arith.constant 8 : i32
          %mul3A_106 = arith.muli %scan3A_95, %mul3A_105 : i32
          %add3A_107 = arith.constant 1 : i32
          %add3A_108 = arith.addi %mul3A_106, %add3A_107 : i32
          %mul3A_109 = arith.constant 16 : i32
          %mul3A_110 = arith.muli %scan3A_76, %mul3A_109 : i32
          %get3A_111 = arith.index_cast %add3A_108 : i32 to index
          %get3A_112 = arith.index_cast %mul3A_110 : i32 to index
          %get3A_113 = tpu.vector_load %arg4[%get3A_111, %get3A_112] {strides = array<i32>} : memref<256x129xf32, #tpu.memory_space<vmem>>, vector<16xf32>,
          %mul3A_114 = arith.constant 8 : i32
          %mul3A_115 = arith.muli %scan3A_95, %mul3A_114 : i32
          %add3A_116 = arith.constant 2 : i32
          %add3A_117 = arith.addi %mul3A_115, %add3A_116 : i32
          %mul3A_118 = arith.constant 16 : i32
          %mul3A_119 = arith.muli %scan3A_76, %mul3A_118 : i32
          %get3A_120 = arith.index_cast %add3A_117 : i32 to index
          %get3A_121 = arith.index_cast %mul3A_119 : i32 to index
          %get3A_122 = tpu.vector_load %arg4[%get3A_120, %get3A_121] {strides = array<i32>} : memref<256x129xf32, #tpu.memory_space<vmem>>, vector<16xf32>,
          %mul3A_123 = arith.constant 8 : i32
          %mul3A_124 = arith.muli %scan3A_95, %mul3A_123 : i32
          %add3A_125 = arith.constant 3 : i32
          %add3A_126 = arith.addi %mul3A_124, %add3A_125 : i32
          %mul3A_127 = arith.constant 16 : i32
          %mul3A_128 = arith.muli %scan3A_76, %mul3A_127 : i32
          %get3A_129 = arith.index_cast %add3A_126 : i32 to index
          %get3A_130 = arith.index_cast %mul3A_128 : i32 to index
          %get3A_131 = tpu.vector_load %arg4[%get3A_129, %get3A_130] {strides = array<i32>} : memref<256x129xf32, #tpu.memory_space<vmem>>, vector<16xf32>,
          %mul3A_132 = arith.constant 8 : i32
          %mul3A_133 = arith.muli %scan3A_95, %mul3A_132 : i32
          %add3A_134 = arith.constant 4 : i32
          %add3A_135 = arith.addi %mul3A_133, %add3A_134 : i32
          %mul3A_136 = arith.constant 16 : i32
          %mul3A_137 = arith.muli %scan3A_76, %mul3A_136 : i32
          %get3A_138 = arith.index_cast %add3A_135 : i32 to index
          %get3A_139 = arith.index_cast %mul3A_137 : i32 to index
          %get3A_140 = tpu.vector_load %arg4[%get3A_138, %get3A_139] {strides = array<i32>} : memref<256x129xf32, #tpu.memory_space<vmem>>, vector<16xf32>,
          %mul3A_141 = arith.constant 8 : i32
          %mul3A_142 = arith.muli %scan3A_95, %mul3A_141 : i32
          %add3A_143 = arith.constant 5 : i32
          %add3A_144 = arith.addi %mul3A_142, %add3A_143 : i32
          %mul3A_145 = arith.constant 16 : i32
          %mul3A_146 = arith.muli %scan3A_76, %mul3A_145 : i32
          %get3A_147 = arith.index_cast %add3A_144 : i32 to index
          %get3A_148 = arith.index_cast %mul3A_146 : i32 to index
          %get3A_149 = tpu.vector_load %arg4[%get3A_147, %get3A_148] {strides = array<i32>} : memref<256x129xf32, #tpu.memory_space<vmem>>, vector<16xf32>,
          %mul3A_150 = arith.constant 8 : i32
          %mul3A_151 = arith.muli %scan3A_95, %mul3A_150 : i32
          %add3A_152 = arith.constant 6 : i32
          %add3A_153 = arith.addi %mul3A_151, %add3A_152 : i32
          %mul3A_154 = arith.constant 16 : i32
          %mul3A_155 = arith.muli %scan3A_76, %mul3A_154 : i32
          %get3A_156 = arith.index_cast %add3A_153 : i32 to index
          %get3A_157 = arith.index_cast %mul3A_155 : i32 to index
          %get3A_158 = tpu.vector_load %arg4[%get3A_156, %get3A_157] {strides = array<i32>} : memref<256x129xf32, #tpu.memory_space<vmem>>, vector<16xf32>,
          %mul3A_159 = arith.constant 8 : i32
          %mul3A_160 = arith.muli %scan3A_95, %mul3A_159 : i32
          %add3A_161 = arith.constant 7 : i32
          %add3A_162 = arith.addi %mul3A_160, %add3A_161 : i32
          %mul3A_163 = arith.constant 16 : i32
          %mul3A_164 = arith.muli %scan3A_76, %mul3A_163 : i32
          %get3A_165 = arith.index_cast %add3A_162 : i32 to index
          %get3A_166 = arith.index_cast %mul3A_164 : i32 to index
          %get3A_167 = tpu.vector_load %arg4[%get3A_165, %get3A_166] {strides = array<i32>} : memref<256x129xf32, #tpu.memory_space<vmem>>, vector<16xf32>,
          %ge3A = arith.cmpf oge, %get3A_104, %gather3A : vector<16xf32>
          %ge3A_168 = arith.cmpf oge, %get3A_113, %gather3A : vector<16xf32>
          %ge3A_169 = arith.cmpf oge, %get3A_122, %gather3A : vector<16xf32>
          %ge3A_170 = arith.cmpf oge, %get3A_131, %gather3A : vector<16xf32>
          %ge3A_171 = arith.cmpf oge, %get3A_140, %gather3A : vector<16xf32>
          %ge3A_172 = arith.cmpf oge, %get3A_149, %gather3A : vector<16xf32>
          %ge3A_173 = arith.cmpf oge, %get3A_158, %gather3A : vector<16xf32>
          %ge3A_174 = arith.cmpf oge, %get3A_167, %gather3A : vector<16xf32>
          %jit3A_175 = arith.constant 1 : i32
          %jit3A_176 = arith.constant 0 : i32
          %broadcast_in_dim3A_177 = vector.broadcast %jit3A_175 : i32 to vector<16xi32>
          %broadcast_in_dim3A_178 = vector.broadcast %jit3A_176 : i32 to vector<16xi32>
          %select_n3A_179 = arith.select %ge3A, %broadcast_in_dim3A_177, %broadcast_in_dim3A_178 : vector<16xi1>, vector<16xi32>
          %jit3A_180 = arith.constant 1 : i32
          %jit3A_181 = arith.constant 0 : i32
          %broadcast_in_dim3A_182 = vector.broadcast %jit3A_180 : i32 to vector<16xi32>
          %broadcast_in_dim3A_183 = vector.broadcast %jit3A_181 : i32 to vector<16xi32>
          %select_n3A_184 = arith.select %ge3A_168, %broadcast_in_dim3A_182, %broadcast_in_dim3A_183 : vector<16xi1>, vector<16xi32>
          %jit3A_185 = arith.constant 1 : i32
          %jit3A_186 = arith.constant 0 : i32
          %broadcast_in_dim3A_187 = vector.broadcast %jit3A_185 : i32 to vector<16xi32>
          %broadcast_in_dim3A_188 = vector.broadcast %jit3A_186 : i32 to vector<16xi32>
          %select_n3A_189 = arith.select %ge3A_169, %broadcast_in_dim3A_187, %broadcast_in_dim3A_188 : vector<16xi1>, vector<16xi32>
          %jit3A_190 = arith.constant 1 : i32
          %jit3A_191 = arith.constant 0 : i32
          %broadcast_in_dim3A_192 = vector.broadcast %jit3A_190 : i32 to vector<16xi32>
          %broadcast_in_dim3A_193 = vector.broadcast %jit3A_191 : i32 to vector<16xi32>
          %select_n3A_194 = arith.select %ge3A_170, %broadcast_in_dim3A_192, %broadcast_in_dim3A_193 : vector<16xi1>, vector<16xi32>
          %jit3A_195 = arith.constant 1 : i32
          %jit3A_196 = arith.constant 0 : i32
          %broadcast_in_dim3A_197 = vector.broadcast %jit3A_195 : i32 to vector<16xi32>
          %broadcast_in_dim3A_198 = vector.broadcast %jit3A_196 : i32 to vector<16xi32>
          %select_n3A_199 = arith.select %ge3A_171, %broadcast_in_dim3A_197, %broadcast_in_dim3A_198 : vector<16xi1>, vector<16xi32>
          %jit3A_200 = arith.constant 1 : i32
          %jit3A_201 = arith.constant 0 : i32
          %broadcast_in_dim3A_202 = vector.broadcast %jit3A_200 : i32 to vector<16xi32>
          %broadcast_in_dim3A_203 = vector.broadcast %jit3A_201 : i32 to vector<16xi32>
          %select_n3A_204 = arith.select %ge3A_172, %broadcast_in_dim3A_202, %broadcast_in_dim3A_203 : vector<16xi1>, vector<16xi32>
          %jit3A_205 = arith.constant 1 : i32
          %jit3A_206 = arith.constant 0 : i32
          %broadcast_in_dim3A_207 = vector.broadcast %jit3A_205 : i32 to vector<16xi32>
          %broadcast_in_dim3A_208 = vector.broadcast %jit3A_206 : i32 to vector<16xi32>
          %select_n3A_209 = arith.select %ge3A_173, %broadcast_in_dim3A_207, %broadcast_in_dim3A_208 : vector<16xi1>, vector<16xi32>
          %jit3A_210 = arith.constant 1 : i32
          %jit3A_211 = arith.constant 0 : i32
          %broadcast_in_dim3A_212 = vector.broadcast %jit3A_210 : i32 to vector<16xi32>
          %broadcast_in_dim3A_213 = vector.broadcast %jit3A_211 : i32 to vector<16xi32>
          %select_n3A_214 = arith.select %ge3A_174, %broadcast_in_dim3A_212, %broadcast_in_dim3A_213 : vector<16xi1>, vector<16xi32>
          %add3A_215 = arith.addi %select_n3A_179, %select_n3A_184 : vector<16xi32>
          %add3A_216 = arith.addi %select_n3A_189, %select_n3A_194 : vector<16xi32>
          %add3A_217 = arith.addi %select_n3A_199, %select_n3A_204 : vector<16xi32>
          %add3A_218 = arith.addi %select_n3A_209, %select_n3A_214 : vector<16xi32>
          %add3A_219 = arith.addi %add3A_215, %add3A_216 : vector<16xi32>
          %add3A_220 = arith.addi %scan3A_96, %select_n3A_179 : vector<16xi32>
          %add3A_221 = arith.addi %scan3A_96, %add3A_215 : vector<16xi32>
          %add3A_222 = arith.addi %scan3A_96, %add3A_215 : vector<16xi32>
          %add3A_223 = arith.addi %add3A_222, %select_n3A_189 : vector<16xi32>
          %add3A_224 = arith.addi %scan3A_96, %add3A_219 : vector<16xi32>
          %add3A_225 = arith.addi %scan3A_96, %add3A_219 : vector<16xi32>
          %add3A_226 = arith.addi %add3A_225, %select_n3A_199 : vector<16xi32>
          %add3A_227 = arith.addi %scan3A_96, %add3A_219 : vector<16xi32>
          %add3A_228 = arith.addi %add3A_227, %add3A_217 : vector<16xi32>
          %add3A_229 = arith.addi %scan3A_96, %add3A_219 : vector<16xi32>
          %add3A_230 = arith.addi %add3A_229, %add3A_217 : vector<16xi32>
          %add3A_231 = arith.addi %add3A_230, %select_n3A_209 : vector<16xi32>
          tpu.vector_store_idx %arg6[%add3A_81, %scan3A_96], %get3A_104 masked %ge3A : memref<128x256xf32, #tpu.memory_space<vmem>>[vector<16xi32>, vector<16xi32>], vector<16xf32>, vector<16xi1>
          tpu.vector_store_idx %arg6[%add3A_81, %add3A_220], %get3A_113 masked %ge3A_168 : memref<128x256xf32, #tpu.memory_space<vmem>>[vector<16xi32>, vector<16xi32>], vector<16xf32>, vector<16xi1>
          tpu.vector_store_idx %arg6[%add3A_81, %add3A_221], %get3A_122 masked %ge3A_169 : memref<128x256xf32, #tpu.memory_space<vmem>>[vector<16xi32>, vector<16xi32>], vector<16xf32>, vector<16xi1>
          tpu.vector_store_idx %arg6[%add3A_81, %add3A_223], %get3A_131 masked %ge3A_170 : memref<128x256xf32, #tpu.memory_space<vmem>>[vector<16xi32>, vector<16xi32>], vector<16xf32>, vector<16xi1>
          tpu.vector_store_idx %arg6[%add3A_81, %add3A_224], %get3A_140 masked %ge3A_171 : memref<128x256xf32, #tpu.memory_space<vmem>>[vector<16xi32>, vector<16xi32>], vector<16xf32>, vector<16xi1>
          tpu.vector_store_idx %arg6[%add3A_81, %add3A_226], %get3A_149 masked %ge3A_172 : memref<128x256xf32, #tpu.memory_space<vmem>>[vector<16xi32>, vector<16xi32>], vector<16xf32>, vector<16xi1>
          tpu.vector_store_idx %arg6[%add3A_81, %add3A_228], %get3A_158 masked %ge3A_173 : memref<128x256xf32, #tpu.memory_space<vmem>>[vector<16xi32>, vector<16xi32>], vector<16xf32>, vector<16xi1>
          tpu.vector_store_idx %arg6[%add3A_81, %add3A_231], %get3A_167 masked %ge3A_174 : memref<128x256xf32, #tpu.memory_space<vmem>>[vector<16xi32>, vector<16xi32>], vector<16xf32>, vector<16xi1>
          %add3A_232 = arith.addi %scan3A_96, %add3A_219 : vector<16xi32>
          %add3A_233 = arith.addi %add3A_232, %add3A_217 : vector<16xi32>
          %add3A_234 = arith.addi %add3A_233, %add3A_218 : vector<16xi32>
          scf.yield %add3A_234 : vector<16xi32>
        }
        %scan3A_91 = arith.constant 32 : i32
        %swap3A = arith.index_cast %scan3A_76 : i32 to index
        %swap3A_92 = arith.constant 0 : index
        %swap3A_93 = tpu.vector_load %arg7[%swap3A, %swap3A_92] {strides = array<i32>} : memref<8x16xi32, #tpu.memory_space<vmem>>, vector<16xi32>,
        tpu.vector_store %arg7[%swap3A, %swap3A_92], %scan3A_90 {strides = array<i32>} : memref<8x16xi32, #tpu.memory_space<vmem>>, vector<16xi32>,
        %scan3A_94 = arith.constant 0 : i32
        scf.yield %scan3A_94 : i32
      }
      %scan3A_74 = arith.constant 8 : i32
      %scan3A_75 = arith.constant 0 : i32
      scf.yield %scan3A_75 : i32
    }
    %scan3A_48 = arith.constant 7 : i32
    %scan3A_49 = arith.constant 0 : i32
    %scan3A_50 = arith.constant 0 : i32
    %scan3A_51 = arith.constant 128 : i32
    %scan3A_52 = arith.addi %scan3A_50, %scan3A_51 : i32
    %scan3A_53 = arith.constant 1 : i32
    %scan3A_54 = scf.for %scan3A_63 = %scan3A_50 to %scan3A_52 step %scan3A_53 iter_args(%scan3A_64 = %scan3A_49) -> (i32)  : i32 {
      %broadcast_in_dim3A_65 = vector.broadcast %scan3A_63 : i32 to vector<16xi32>
      %add3A_66 = arith.constant 0 : i32
      %add3A_67 = vector.broadcast %add3A_66 : i32 to vector<16xi32>
      %add3A_68 = arith.addi %add3A_67, %iota3A : vector<16xi32>
      %get3A = arith.index_cast %scan3A_63 : i32 to index
      %get3A_69 = arith.constant 48 : index
      %get3A_70 = tpu.vector_load %arg5[%get3A, %get3A_69] {strides = array<i32>} : memref<128x64xf32, #tpu.memory_space<vmem>>, vector<16xf32>,
      %rev3A = arith.constant 15 : i32
      %rev3A_71 = vector.broadcast %rev3A : i32 to vector<16xi32>
      %rev3A_72 = tpu.iota {dimensions = array<i32: 0>} : vector<16xi32>
      %rev3A_73 = arith.subi %rev3A_71, %rev3A_72 : vector<16xi32>
      %rev3A_74 = tpu.dynamic_gather %get3A_70[%rev3A_73] in [0] : vector<16xf32>, vector<16xi32> -> vector<16xf32>
      tpu.vector_store_idx %arg8[%add3A_68, %broadcast_in_dim3A_65], %rev3A_74 : memref<64x128xf32, #tpu.memory_space<vmem>>[vector<16xi32>, vector<16xi32>], vector<16xf32>,
      %add3A_75 = arith.constant 16 : i32
      %add3A_76 = vector.broadcast %add3A_75 : i32 to vector<16xi32>
      %add3A_77 = arith.addi %add3A_76, %iota3A : vector<16xi32>
      %get3A_78 = arith.index_cast %scan3A_63 : i32 to index
      %get3A_79 = arith.constant 32 : index
      %get3A_80 = tpu.vector_load %arg5[%get3A_78, %get3A_79] {strides = array<i32>} : memref<128x64xf32, #tpu.memory_space<vmem>>, vector<16xf32>,
      %rev3A_81 = arith.constant 15 : i32
      %rev3A_82 = vector.broadcast %rev3A_81 : i32 to vector<16xi32>
      %rev3A_83 = tpu.iota {dimensions = array<i32: 0>} : vector<16xi32>
      %rev3A_84 = arith.subi %rev3A_82, %rev3A_83 : vector<16xi32>
      %rev3A_85 = tpu.dynamic_gather %get3A_80[%rev3A_84] in [0] : vector<16xf32>, vector<16xi32> -> vector<16xf32>
      tpu.vector_store_idx %arg8[%add3A_77, %broadcast_in_dim3A_65], %rev3A_85 : memref<64x128xf32, #tpu.memory_space<vmem>>[vector<16xi32>, vector<16xi32>], vector<16xf32>,
      %add3A_86 = arith.constant 32 : i32
      %add3A_87 = vector.broadcast %add3A_86 : i32 to vector<16xi32>
      %add3A_88 = arith.addi %add3A_87, %iota3A : vector<16xi32>
      %get3A_89 = arith.index_cast %scan3A_63 : i32 to index
      %get3A_90 = arith.constant 16 : index
      %get3A_91 = tpu.vector_load %arg5[%get3A_89, %get3A_90] {strides = array<i32>} : memref<128x64xf32, #tpu.memory_space<vmem>>, vector<16xf32>,
      %rev3A_92 = arith.constant 15 : i32
      %rev3A_93 = vector.broadcast %rev3A_92 : i32 to vector<16xi32>
      %rev3A_94 = tpu.iota {dimensions = array<i32: 0>} : vector<16xi32>
      %rev3A_95 = arith.subi %rev3A_93, %rev3A_94 : vector<16xi32>
      %rev3A_96 = tpu.dynamic_gather %get3A_91[%rev3A_95] in [0] : vector<16xf32>, vector<16xi32> -> vector<16xf32>
      tpu.vector_store_idx %arg8[%add3A_88, %broadcast_in_dim3A_65], %rev3A_96 : memref<64x128xf32, #tpu.memory_space<vmem>>[vector<16xi32>, vector<16xi32>], vector<16xf32>,
      %add3A_97 = arith.constant 48 : i32
      %add3A_98 = vector.broadcast %add3A_97 : i32 to vector<16xi32>
      %add3A_99 = arith.addi %add3A_98, %iota3A : vector<16xi32>
      %get3A_100 = arith.index_cast %scan3A_63 : i32 to index
      %get3A_101 = arith.constant 0 : index
      %get3A_102 = tpu.vector_load %arg5[%get3A_100, %get3A_101] {strides = array<i32>} : memref<128x64xf32, #tpu.memory_space<vmem>>, vector<16xf32>,
      %rev3A_103 = arith.constant 15 : i32
      %rev3A_104 = vector.broadcast %rev3A_103 : i32 to vector<16xi32>
      %rev3A_105 = tpu.iota {dimensions = array<i32: 0>} : vector<16xi32>
      %rev3A_106 = arith.subi %rev3A_104, %rev3A_105 : vector<16xi32>
      %rev3A_107 = tpu.dynamic_gather %get3A_102[%rev3A_106] in [0] : vector<16xf32>, vector<16xi32> -> vector<16xf32>
      tpu.vector_store_idx %arg8[%add3A_99, %broadcast_in_dim3A_65], %rev3A_107 : memref<64x128xf32, #tpu.memory_space<vmem>>[vector<16xi32>, vector<16xi32>], vector<16xf32>,
      %scan3A_108 = arith.constant 0 : i32
      scf.yield %scan3A_108 : i32
    }
    %scan3A_55 = arith.constant 128 : i32
    "tpu.region"() ({
      %run_scoped3A = tpu.sem_alloc : memref<!tpu.dma_semaphore, #tpu.memory_space<semaphore_mem>>
      %dma_start3A = arith.constant 0 : i32
      %dma_start3A_63 = tpu.memref_slice %arg3[%select_n3A, %dma_start3A, %multiple_of3A] : memref<4x2048x1024xf32, #tpu.memory_space<hbm>> -> memref<1x64x128xf32, #tpu.memory_space<hbm>>
      %dma_start3A_64 = tpu.memref_squeeze %dma_start3A_63 : memref<1x64x128xf32, #tpu.memory_space<hbm>> -> memref<64x128xf32, #tpu.memory_space<hbm>>
      %dma_start3A_65 = arith.constant 0 : i32
      %dma_start3A_66 = tpu.memref_slice %arg3[%select_n3A, %dma_start3A_65, %multiple_of3A] : memref<4x2048x1024xf32, #tpu.memory_space<hbm>> -> memref<1x64x128xf32, #tpu.memory_space<hbm>>
      %dma_start3A_67 = tpu.memref_squeeze %dma_start3A_66 : memref<1x64x128xf32, #tpu.memory_space<hbm>> -> memref<64x128xf32, #tpu.memory_space<hbm>>
      tpu.enqueue_dma source(%arg8 : memref<64x128xf32, #tpu.memory_space<vmem>>) target(%dma_start3A_67 : memref<64x128xf32, #tpu.memory_space<hbm>>) target_semaphore(%run_scoped3A : memref<!tpu.dma_semaphore, #tpu.memory_space<semaphore_mem>>)
      %dma_wait3A = arith.constant 0 : i32
      %dma_wait3A_68 = tpu.memref_slice %arg3[%select_n3A, %dma_wait3A, %multiple_of3A] : memref<4x2048x1024xf32, #tpu.memory_space<hbm>> -> memref<1x64x128xf32, #tpu.memory_space<hbm>>
      %dma_wait3A_69 = tpu.memref_squeeze %dma_wait3A_68 : memref<1x64x128xf32, #tpu.memory_space<hbm>> -> memref<64x128xf32, #tpu.memory_space<hbm>>
      %dma_wait3A_70 = arith.constant 0 : i32
      %dma_wait3A_71 = tpu.memref_slice %arg3[%select_n3A, %dma_wait3A_70, %multiple_of3A] : memref<4x2048x1024xf32, #tpu.memory_space<hbm>> -> memref<1x64x128xf32, #tpu.memory_space<hbm>>
      %dma_wait3A_72 = tpu.memref_squeeze %dma_wait3A_71 : memref<1x64x128xf32, #tpu.memory_space<hbm>> -> memref<64x128xf32, #tpu.memory_space<hbm>>
      tpu.wait_dma2 semaphore(%run_scoped3A : memref<!tpu.dma_semaphore, #tpu.memory_space<semaphore_mem>>) src(%arg8 : memref<64x128xf32, #tpu.memory_space<vmem>>) dst(%dma_wait3A_72 : memref<64x128xf32, #tpu.memory_space<hbm>>)
      tpu.yield
    }) : () -> ()
    %scan3A_56 = arith.constant 0 : i32
    %scan3A_57 = arith.constant 0 : i32
    %scan3A_58 = arith.constant 256 : i32
    %scan3A_59 = arith.addi %scan3A_57, %scan3A_58 : i32
    %scan3A_60 = arith.constant 1 : i32
    %scan3A_61 = scf.for %scan3A_63 = %scan3A_57 to %scan3A_59 step %scan3A_60 iter_args(%scan3A_64 = %scan3A_56) -> (i32)  : i32 {
      %swap3A = arith.index_cast %scan3A_63 : i32 to index
      %swap3A_65 = arith.constant 0 : index
      %swap3A_66 = tpu.vector_load %arg4[%swap3A, %swap3A_65] {strides = array<i32>} : memref<256x129xf32, #tpu.memory_space<vmem>>, vector<16xf32>,
      tpu.vector_store %arg4[%swap3A, %swap3A_65], %broadcast_in_dim3A_33 {strides = array<i32>} : memref<256x129xf32, #tpu.memory_space<vmem>>, vector<16xf32>,
      %swap3A_67 = arith.index_cast %scan3A_63 : i32 to index
      %swap3A_68 = arith.constant 16 : index
      %swap3A_69 = tpu.vector_load %arg4[%swap3A_67, %swap3A_68] {strides = array<i32>} : memref<256x129xf32, #tpu.memory_space<vmem>>, vector<16xf32>,
      tpu.vector_store %arg4[%swap3A_67, %swap3A_68], %broadcast_in_dim3A_33 {strides = array<i32>} : memref<256x129xf32, #tpu.memory_space<vmem>>, vector<16xf32>,
      %swap3A_70 = arith.index_cast %scan3A_63 : i32 to index
      %swap3A_71 = arith.constant 32 : index
      %swap3A_72 = tpu.vector_load %arg4[%swap3A_70, %swap3A_71] {strides = array<i32>} : memref<256x129xf32, #tpu.memory_space<vmem>>, vector<16xf32>,
      tpu.vector_store %arg4[%swap3A_70, %swap3A_71], %broadcast_in_dim3A_33 {strides = array<i32>} : memref<256x129xf32, #tpu.memory_space<vmem>>, vector<16xf32>,
      %swap3A_73 = arith.index_cast %scan3A_63 : i32 to index
      %swap3A_74 = arith.constant 48 : index
      %swap3A_75 = tpu.vector_load %arg4[%swap3A_73, %swap3A_74] {strides = array<i32>} : memref<256x129xf32, #tpu.memory_space<vmem>>, vector<16xf32>,
      tpu.vector_store %arg4[%swap3A_73, %swap3A_74], %broadcast_in_dim3A_33 {strides = array<i32>} : memref<256x129xf32, #tpu.memory_space<vmem>>, vector<16xf32>,
      %swap3A_76 = arith.index_cast %scan3A_63 : i32 to index
      %swap3A_77 = arith.constant 64 : index
      %swap3A_78 = tpu.vector_load %arg4[%swap3A_76, %swap3A_77] {strides = array<i32>} : memref<256x129xf32, #tpu.memory_space<vmem>>, vector<16xf32>,
      tpu.vector_store %arg4[%swap3A_76, %swap3A_77], %broadcast_in_dim3A_33 {strides = array<i32>} : memref<256x129xf32, #tpu.memory_space<vmem>>, vector<16xf32>,
      %swap3A_79 = arith.index_cast %scan3A_63 : i32 to index
      %swap3A_80 = arith.constant 80 : index
      %swap3A_81 = tpu.vector_load %arg4[%swap3A_79, %swap3A_80] {strides = array<i32>} : memref<256x129xf32, #tpu.memory_space<vmem>>, vector<16xf32>,
      tpu.vector_store %arg4[%swap3A_79, %swap3A_80], %broadcast_in_dim3A_33 {strides = array<i32>} : memref<256x129xf32, #tpu.memory_space<vmem>>, vector<16xf32>,
      %swap3A_82 = arith.index_cast %scan3A_63 : i32 to index
      %swap3A_83 = arith.constant 96 : index
      %swap3A_84 = tpu.vector_load %arg4[%swap3A_82, %swap3A_83] {strides = array<i32>} : memref<256x129xf32, #tpu.memory_space<vmem>>, vector<16xf32>,
      tpu.vector_store %arg4[%swap3A_82, %swap3A_83], %broadcast_in_dim3A_33 {strides = array<i32>} : memref<256x129xf32, #tpu.memory_space<vmem>>, vector<16xf32>,
      %swap3A_85 = arith.index_cast %scan3A_63 : i32 to index
      %swap3A_86 = arith.constant 112 : index
      %swap3A_87 = tpu.vector_load %arg4[%swap3A_85, %swap3A_86] {strides = array<i32>} : memref<256x129xf32, #tpu.memory_space<vmem>>, vector<16xf32>,
      tpu.vector_store %arg4[%swap3A_85, %swap3A_86], %broadcast_in_dim3A_33 {strides = array<i32>} : memref<256x129xf32, #tpu.memory_space<vmem>>, vector<16xf32>,
      %scan3A_88 = arith.constant 0 : i32
      scf.yield %scan3A_88 : i32
    }
    %scan3A_62 = arith.constant 256 : i32
    "tpu.region"() ({
      %run_scoped3A = tpu.sem_alloc : memref<!tpu.dma_semaphore, #tpu.memory_space<semaphore_mem>>
      %dma_start3A = arith.constant 0 : i32
      %dma_start3A_63 = arith.constant 0 : i32
      %dma_start3A_64 = tpu.memref_slice %arg4[%dma_start3A, %dma_start3A_63] : memref<256x129xf32, #tpu.memory_space<vmem>> -> memref<192x128xf32, #tpu.memory_space<vmem>>
      %dma_start3A_65 = arith.constant 64 : i32
      %dma_start3A_66 = tpu.memref_slice %arg3[%select_n3A, %dma_start3A_65, %multiple_of3A] : memref<4x2048x1024xf32, #tpu.memory_space<hbm>> -> memref<1x192x128xf32, #tpu.memory_space<hbm>>
      %dma_start3A_67 = tpu.memref_squeeze %dma_start3A_66 : memref<1x192x128xf32, #tpu.memory_space<hbm>> -> memref<192x128xf32, #tpu.memory_space<hbm>>
      %dma_start3A_68 = arith.constant 64 : i32
      %dma_start3A_69 = tpu.memref_slice %arg3[%select_n3A, %dma_start3A_68, %multiple_of3A] : memref<4x2048x1024xf32, #tpu.memory_space<hbm>> -> memref<1x192x128xf32, #tpu.memory_space<hbm>>
      %dma_start3A_70 = tpu.memref_squeeze %dma_start3A_69 : memref<1x192x128xf32, #tpu.memory_space<hbm>> -> memref<192x128xf32, #tpu.memory_space<hbm>>
      %dma_start3A_71 = arith.constant 0 : i32
      %dma_start3A_72 = arith.constant 0 : i32
      %dma_start3A_73 = tpu.memref_slice %arg4[%dma_start3A_71, %dma_start3A_72] : memref<256x129xf32, #tpu.memory_space<vmem>> -> memref<192x128xf32, #tpu.memory_space<vmem>>
      tpu.enqueue_dma source(%dma_start3A_73 : memref<192x128xf32, #tpu.memory_space<vmem>>) target(%dma_start3A_70 : memref<192x128xf32, #tpu.memory_space<hbm>>) target_semaphore(%run_scoped3A : memref<!tpu.dma_semaphore, #tpu.memory_space<semaphore_mem>>)
      %dma_wait3A = arith.constant 0 : i32
      %dma_wait3A_74 = arith.constant 0 : i32
      %dma_wait3A_75 = tpu.memref_slice %arg4[%dma_wait3A, %dma_wait3A_74] : memref<256x129xf32, #tpu.memory_space<vmem>> -> memref<192x128xf32, #tpu.memory_space<vmem>>
      %dma_wait3A_76 = arith.constant 64 : i32
      %dma_wait3A_77 = tpu.memref_slice %arg3[%select_n3A, %dma_wait3A_76, %multiple_of3A] : memref<4x2048x1024xf32, #tpu.memory_space<hbm>> -> memref<1x192x128xf32, #tpu.memory_space<hbm>>
      %dma_wait3A_78 = tpu.memref_squeeze %dma_wait3A_77 : memref<1x192x128xf32, #tpu.memory_space<hbm>> -> memref<192x128xf32, #tpu.memory_space<hbm>>
      %dma_wait3A_79 = arith.constant 64 : i32
      %dma_wait3A_80 = tpu.memref_slice %arg3[%select_n3A, %dma_wait3A_79, %multiple_of3A] : memref<4x2048x1024xf32, #tpu.memory_space<hbm>> -> memref<1x192x128xf32, #tpu.memory_space<hbm>>
      %dma_wait3A_81 = tpu.memref_squeeze %dma_wait3A_80 : memref<1x192x128xf32, #tpu.memory_space<hbm>> -> memref<192x128xf32, #tpu.memory_space<hbm>>
      %dma_wait3A_82 = arith.constant 0 : i32
      %dma_wait3A_83 = arith.constant 0 : i32
      %dma_wait3A_84 = tpu.memref_slice %arg4[%dma_wait3A_82, %dma_wait3A_83] : memref<256x129xf32, #tpu.memory_space<vmem>> -> memref<192x128xf32, #tpu.memory_space<vmem>>
      tpu.wait_dma2 semaphore(%run_scoped3A : memref<!tpu.dma_semaphore, #tpu.memory_space<semaphore_mem>>) src(%dma_wait3A_84 : memref<192x128xf32, #tpu.memory_space<vmem>>) dst(%dma_wait3A_81 : memref<192x128xf32, #tpu.memory_space<hbm>>)
      tpu.yield
    }) : () -> ()
    "tpu.region"() ({
      %run_scoped3A = tpu.sem_alloc : memref<!tpu.dma_semaphore, #tpu.memory_space<semaphore_mem>>
      %dma_start3A = arith.constant 0 : i32
      %dma_start3A_63 = arith.constant 0 : i32
      %dma_start3A_64 = tpu.memref_slice %arg4[%dma_start3A, %dma_start3A_63] : memref<256x129xf32, #tpu.memory_space<vmem>> -> memref<256x128xf32, #tpu.memory_space<vmem>>
      %dma_start3A_65 = arith.constant 256 : i32
      %dma_start3A_66 = tpu.memref_slice %arg3[%select_n3A, %dma_start3A_65, %multiple_of3A] : memref<4x2048x1024xf32, #tpu.memory_space<hbm>> -> memref<1x256x128xf32, #tpu.memory_space<hbm>>
      %dma_start3A_67 = tpu.memref_squeeze %dma_start3A_66 : memref<1x256x128xf32, #tpu.memory_space<hbm>> -> memref<256x128xf32, #tpu.memory_space<hbm>>
      %dma_start3A_68 = arith.constant 256 : i32
      %dma_start3A_69 = tpu.memref_slice %arg3[%select_n3A, %dma_start3A_68, %multiple_of3A] : memref<4x2048x1024xf32, #tpu.memory_space<hbm>> -> memref<1x256x128xf32, #tpu.memory_space<hbm>>
      %dma_start3A_70 = tpu.memref_squeeze %dma_start3A_69 : memref<1x256x128xf32, #tpu.memory_space<hbm>> -> memref<256x128xf32, #tpu.memory_space<hbm>>
      %dma_start3A_71 = arith.constant 0 : i32
      %dma_start3A_72 = arith.constant 0 : i32
      %dma_start3A_73 = tpu.memref_slice %arg4[%dma_start3A_71, %dma_start3A_72] : memref<256x129xf32, #tpu.memory_space<vmem>> -> memref<256x128xf32, #tpu.memory_space<vmem>>
      tpu.enqueue_dma source(%dma_start3A_73 : memref<256x128xf32, #tpu.memory_space<vmem>>) target(%dma_start3A_70 : memref<256x128xf32, #tpu.memory_space<hbm>>) target_semaphore(%run_scoped3A : memref<!tpu.dma_semaphore, #tpu.memory_space<semaphore_mem>>)
      %dma_wait3A = arith.constant 0 : i32
      %dma_wait3A_74 = arith.constant 0 : i32
      %dma_wait3A_75 = tpu.memref_slice %arg4[%dma_wait3A, %dma_wait3A_74] : memref<256x129xf32, #tpu.memory_space<vmem>> -> memref<256x128xf32, #tpu.memory_space<vmem>>
      %dma_wait3A_76 = arith.constant 256 : i32
      %dma_wait3A_77 = tpu.memref_slice %arg3[%select_n3A, %dma_wait3A_76, %multiple_of3A] : memref<4x2048x1024xf32, #tpu.memory_space<hbm>> -> memref<1x256x128xf32, #tpu.memory_space<hbm>>
      %dma_wait3A_78 = tpu.memref_squeeze %dma_wait3A_77 : memref<1x256x128xf32, #tpu.memory_space<hbm>> -> memref<256x128xf32, #tpu.memory_space<hbm>>
      %dma_wait3A_79 = arith.constant 256 : i32
      %dma_wait3A_80 = tpu.memref_slice %arg3[%select_n3A, %dma_wait3A_79, %multiple_of3A] : memref<4x2048x1024xf32, #tpu.memory_space<hbm>> -> memref<1x256x128xf32, #tpu.memory_space<hbm>>
      %dma_wait3A_81 = tpu.memref_squeeze %dma_wait3A_80 : memref<1x256x128xf32, #tpu.memory_space<hbm>> -> memref<256x128xf32, #tpu.memory_space<hbm>>
      %dma_wait3A_82 = arith.constant 0 : i32
      %dma_wait3A_83 = arith.constant 0 : i32
      %dma_wait3A_84 = tpu.memref_slice %arg4[%dma_wait3A_82, %dma_wait3A_83] : memref<256x129xf32, #tpu.memory_space<vmem>> -> memref<256x128xf32, #tpu.memory_space<vmem>>
      tpu.wait_dma2 semaphore(%run_scoped3A : memref<!tpu.dma_semaphore, #tpu.memory_space<semaphore_mem>>) src(%dma_wait3A_84 : memref<256x128xf32, #tpu.memory_space<vmem>>) dst(%dma_wait3A_81 : memref<256x128xf32, #tpu.memory_space<hbm>>)
      tpu.yield
    }) : () -> ()
    "tpu.region"() ({
      %run_scoped3A = tpu.sem_alloc : memref<!tpu.dma_semaphore, #tpu.memory_space<semaphore_mem>>
      %dma_start3A = arith.constant 0 : i32
      %dma_start3A_63 = arith.constant 0 : i32
      %dma_start3A_64 = tpu.memref_slice %arg4[%dma_start3A, %dma_start3A_63] : memref<256x129xf32, #tpu.memory_space<vmem>> -> memref<256x128xf32, #tpu.memory_space<vmem>>
      %dma_start3A_65 = arith.constant 512 : i32
      %dma_start3A_66 = tpu.memref_slice %arg3[%select_n3A, %dma_start3A_65, %multiple_of3A] : memref<4x2048x1024xf32, #tpu.memory_space<hbm>> -> memref<1x256x128xf32, #tpu.memory_space<hbm>>
      %dma_start3A_67 = tpu.memref_squeeze %dma_start3A_66 : memref<1x256x128xf32, #tpu.memory_space<hbm>> -> memref<256x128xf32, #tpu.memory_space<hbm>>
      %dma_start3A_68 = arith.constant 512 : i32
      %dma_start3A_69 = tpu.memref_slice %arg3[%select_n3A, %dma_start3A_68, %multiple_of3A] : memref<4x2048x1024xf32, #tpu.memory_space<hbm>> -> memref<1x256x128xf32, #tpu.memory_space<hbm>>
      %dma_start3A_70 = tpu.memref_squeeze %dma_start3A_69 : memref<1x256x128xf32, #tpu.memory_space<hbm>> -> memref<256x128xf32, #tpu.memory_space<hbm>>
      %dma_start3A_71 = arith.constant 0 : i32
      %dma_start3A_72 = arith.constant 0 : i32
      %dma_start3A_73 = tpu.memref_slice %arg4[%dma_start3A_71, %dma_start3A_72] : memref<256x129xf32, #tpu.memory_space<vmem>> -> memref<256x128xf32, #tpu.memory_space<vmem>>
      tpu.enqueue_dma source(%dma_start3A_73 : memref<256x128xf32, #tpu.memory_space<vmem>>) target(%dma_start3A_70 : memref<256x128xf32, #tpu.memory_space<hbm>>) target_semaphore(%run_scoped3A : memref<!tpu.dma_semaphore, #tpu.memory_space<semaphore_mem>>)
      %dma_wait3A = arith.constant 0 : i32
      %dma_wait3A_74 = arith.constant 0 : i32
      %dma_wait3A_75 = tpu.memref_slice %arg4[%dma_wait3A, %dma_wait3A_74] : memref<256x129xf32, #tpu.memory_space<vmem>> -> memref<256x128xf32, #tpu.memory_space<vmem>>
      %dma_wait3A_76 = arith.constant 512 : i32
      %dma_wait3A_77 = tpu.memref_slice %arg3[%select_n3A, %dma_wait3A_76, %multiple_of3A] : memref<4x2048x1024xf32, #tpu.memory_space<hbm>> -> memref<1x256x128xf32, #tpu.memory_space<hbm>>
      %dma_wait3A_78 = tpu.memref_squeeze %dma_wait3A_77 : memref<1x256x128xf32, #tpu.memory_space<hbm>> -> memref<256x128xf32, #tpu.memory_space<hbm>>
      %dma_wait3A_79 = arith.constant 512 : i32
      %dma_wait3A_80 = tpu.memref_slice %arg3[%select_n3A, %dma_wait3A_79, %multiple_of3A] : memref<4x2048x1024xf32, #tpu.memory_space<hbm>> -> memref<1x256x128xf32, #tpu.memory_space<hbm>>
      %dma_wait3A_81 = tpu.memref_squeeze %dma_wait3A_80 : memref<1x256x128xf32, #tpu.memory_space<hbm>> -> memref<256x128xf32, #tpu.memory_space<hbm>>
      %dma_wait3A_82 = arith.constant 0 : i32
      %dma_wait3A_83 = arith.constant 0 : i32
      %dma_wait3A_84 = tpu.memref_slice %arg4[%dma_wait3A_82, %dma_wait3A_83] : memref<256x129xf32, #tpu.memory_space<vmem>> -> memref<256x128xf32, #tpu.memory_space<vmem>>
      tpu.wait_dma2 semaphore(%run_scoped3A : memref<!tpu.dma_semaphore, #tpu.memory_space<semaphore_mem>>) src(%dma_wait3A_84 : memref<256x128xf32, #tpu.memory_space<vmem>>) dst(%dma_wait3A_81 : memref<256x128xf32, #tpu.memory_space<hbm>>)
      tpu.yield
    }) : () -> ()
    "tpu.region"() ({
      %run_scoped3A = tpu.sem_alloc : memref<!tpu.dma_semaphore, #tpu.memory_space<semaphore_mem>>
      %dma_start3A = arith.constant 0 : i32
      %dma_start3A_63 = arith.constant 0 : i32
      %dma_start3A_64 = tpu.memref_slice %arg4[%dma_start3A, %dma_start3A_63] : memref<256x129xf32, #tpu.memory_space<vmem>> -> memref<256x128xf32, #tpu.memory_space<vmem>>
      %dma_start3A_65 = arith.constant 768 : i32
      %dma_start3A_66 = tpu.memref_slice %arg3[%select_n3A, %dma_start3A_65, %multiple_of3A] : memref<4x2048x1024xf32, #tpu.memory_space<hbm>> -> memref<1x256x128xf32, #tpu.memory_space<hbm>>
      %dma_start3A_67 = tpu.memref_squeeze %dma_start3A_66 : memref<1x256x128xf32, #tpu.memory_space<hbm>> -> memref<256x128xf32, #tpu.memory_space<hbm>>
      %dma_start3A_68 = arith.constant 768 : i32
      %dma_start3A_69 = tpu.memref_slice %arg3[%select_n3A, %dma_start3A_68, %multiple_of3A] : memref<4x2048x1024xf32, #tpu.memory_space<hbm>> -> memref<1x256x128xf32, #tpu.memory_space<hbm>>
      %dma_start3A_70 = tpu.memref_squeeze %dma_start3A_69 : memref<1x256x128xf32, #tpu.memory_space<hbm>> -> memref<256x128xf32, #tpu.memory_space<hbm>>
      %dma_start3A_71 = arith.constant 0 : i32
      %dma_start3A_72 = arith.constant 0 : i32
      %dma_start3A_73 = tpu.memref_slice %arg4[%dma_start3A_71, %dma_start3A_72] : memref<256x129xf32, #tpu.memory_space<vmem>> -> memref<256x128xf32, #tpu.memory_space<vmem>>
      tpu.enqueue_dma source(%dma_start3A_73 : memref<256x128xf32, #tpu.memory_space<vmem>>) target(%dma_start3A_70 : memref<256x128xf32, #tpu.memory_space<hbm>>) target_semaphore(%run_scoped3A : memref<!tpu.dma_semaphore, #tpu.memory_space<semaphore_mem>>)
      %dma_wait3A = arith.constant 0 : i32
      %dma_wait3A_74 = arith.constant 0 : i32
      %dma_wait3A_75 = tpu.memref_slice %arg4[%dma_wait3A, %dma_wait3A_74] : memref<256x129xf32, #tpu.memory_space<vmem>> -> memref<256x128xf32, #tpu.memory_space<vmem>>
      %dma_wait3A_76 = arith.constant 768 : i32
      %dma_wait3A_77 = tpu.memref_slice %arg3[%select_n3A, %dma_wait3A_76, %multiple_of3A] : memref<4x2048x1024xf32, #tpu.memory_space<hbm>> -> memref<1x256x128xf32, #tpu.memory_space<hbm>>
      %dma_wait3A_78 = tpu.memref_squeeze %dma_wait3A_77 : memref<1x256x128xf32, #tpu.memory_space<hbm>> -> memref<256x128xf32, #tpu.memory_space<hbm>>
      %dma_wait3A_79 = arith.constant 768 : i32
      %dma_wait3A_80 = tpu.memref_slice %arg3[%select_n3A, %dma_wait3A_79, %multiple_of3A] : memref<4x2048x1024xf32, #tpu.memory_space<hbm>> -> memref<1x256x128xf32, #tpu.memory_space<hbm>>
      %dma_wait3A_81 = tpu.memref_squeeze %dma_wait3A_80 : memref<1x256x128xf32, #tpu.memory_space<hbm>> -> memref<256x128xf32, #tpu.memory_space<hbm>>
      %dma_wait3A_82 = arith.constant 0 : i32
      %dma_wait3A_83 = arith.constant 0 : i32
      %dma_wait3A_84 = tpu.memref_slice %arg4[%dma_wait3A_82, %dma_wait3A_83] : memref<256x129xf32, #tpu.memory_space<vmem>> -> memref<256x128xf32, #tpu.memory_space<vmem>>
      tpu.wait_dma2 semaphore(%run_scoped3A : memref<!tpu.dma_semaphore, #tpu.memory_space<semaphore_mem>>) src(%dma_wait3A_84 : memref<256x128xf32, #tpu.memory_space<vmem>>) dst(%dma_wait3A_81 : memref<256x128xf32, #tpu.memory_space<hbm>>)
      tpu.yield
    }) : () -> ()
    "tpu.region"() ({
      %run_scoped3A = tpu.sem_alloc : memref<!tpu.dma_semaphore, #tpu.memory_space<semaphore_mem>>
      %dma_start3A = arith.constant 0 : i32
      %dma_start3A_63 = arith.constant 0 : i32
      %dma_start3A_64 = tpu.memref_slice %arg4[%dma_start3A, %dma_start3A_63] : memref<256x129xf32, #tpu.memory_space<vmem>> -> memref<256x128xf32, #tpu.memory_space<vmem>>
      %dma_start3A_65 = arith.constant 1024 : i32
      %dma_start3A_66 = tpu.memref_slice %arg3[%select_n3A, %dma_start3A_65, %multiple_of3A] : memref<4x2048x1024xf32, #tpu.memory_space<hbm>> -> memref<1x256x128xf32, #tpu.memory_space<hbm>>
      %dma_start3A_67 = tpu.memref_squeeze %dma_start3A_66 : memref<1x256x128xf32, #tpu.memory_space<hbm>> -> memref<256x128xf32, #tpu.memory_space<hbm>>
      %dma_start3A_68 = arith.constant 1024 : i32
      %dma_start3A_69 = tpu.memref_slice %arg3[%select_n3A, %dma_start3A_68, %multiple_of3A] : memref<4x2048x1024xf32, #tpu.memory_space<hbm>> -> memref<1x256x128xf32, #tpu.memory_space<hbm>>
      %dma_start3A_70 = tpu.memref_squeeze %dma_start3A_69 : memref<1x256x128xf32, #tpu.memory_space<hbm>> -> memref<256x128xf32, #tpu.memory_space<hbm>>
      %dma_start3A_71 = arith.constant 0 : i32
      %dma_start3A_72 = arith.constant 0 : i32
      %dma_start3A_73 = tpu.memref_slice %arg4[%dma_start3A_71, %dma_start3A_72] : memref<256x129xf32, #tpu.memory_space<vmem>> -> memref<256x128xf32, #tpu.memory_space<vmem>>
      tpu.enqueue_dma source(%dma_start3A_73 : memref<256x128xf32, #tpu.memory_space<vmem>>) target(%dma_start3A_70 : memref<256x128xf32, #tpu.memory_space<hbm>>) target_semaphore(%run_scoped3A : memref<!tpu.dma_semaphore, #tpu.memory_space<semaphore_mem>>)
      %dma_wait3A = arith.constant 0 : i32
      %dma_wait3A_74 = arith.constant 0 : i32
      %dma_wait3A_75 = tpu.memref_slice %arg4[%dma_wait3A, %dma_wait3A_74] : memref<256x129xf32, #tpu.memory_space<vmem>> -> memref<256x128xf32, #tpu.memory_space<vmem>>
      %dma_wait3A_76 = arith.constant 1024 : i32
      %dma_wait3A_77 = tpu.memref_slice %arg3[%select_n3A, %dma_wait3A_76, %multiple_of3A] : memref<4x2048x1024xf32, #tpu.memory_space<hbm>> -> memref<1x256x128xf32, #tpu.memory_space<hbm>>
      %dma_wait3A_78 = tpu.memref_squeeze %dma_wait3A_77 : memref<1x256x128xf32, #tpu.memory_space<hbm>> -> memref<256x128xf32, #tpu.memory_space<hbm>>
      %dma_wait3A_79 = arith.constant 1024 : i32
      %dma_wait3A_80 = tpu.memref_slice %arg3[%select_n3A, %dma_wait3A_79, %multiple_of3A] : memref<4x2048x1024xf32, #tpu.memory_space<hbm>> -> memref<1x256x128xf32, #tpu.memory_space<hbm>>
      %dma_wait3A_81 = tpu.memref_squeeze %dma_wait3A_80 : memref<1x256x128xf32, #tpu.memory_space<hbm>> -> memref<256x128xf32, #tpu.memory_space<hbm>>
      %dma_wait3A_82 = arith.constant 0 : i32
      %dma_wait3A_83 = arith.constant 0 : i32
      %dma_wait3A_84 = tpu.memref_slice %arg4[%dma_wait3A_82, %dma_wait3A_83] : memref<256x129xf32, #tpu.memory_space<vmem>> -> memref<256x128xf32, #tpu.memory_space<vmem>>
      tpu.wait_dma2 semaphore(%run_scoped3A : memref<!tpu.dma_semaphore, #tpu.memory_space<semaphore_mem>>) src(%dma_wait3A_84 : memref<256x128xf32, #tpu.memory_space<vmem>>) dst(%dma_wait3A_81 : memref<256x128xf32, #tpu.memory_space<hbm>>)
      tpu.yield
    }) : () -> ()
    "tpu.region"() ({
      %run_scoped3A = tpu.sem_alloc : memref<!tpu.dma_semaphore, #tpu.memory_space<semaphore_mem>>
      %dma_start3A = arith.constant 0 : i32
      %dma_start3A_63 = arith.constant 0 : i32
      %dma_start3A_64 = tpu.memref_slice %arg4[%dma_start3A, %dma_start3A_63] : memref<256x129xf32, #tpu.memory_space<vmem>> -> memref<256x128xf32, #tpu.memory_space<vmem>>
      %dma_start3A_65 = arith.constant 1280 : i32
      %dma_start3A_66 = tpu.memref_slice %arg3[%select_n3A, %dma_start3A_65, %multiple_of3A] : memref<4x2048x1024xf32, #tpu.memory_space<hbm>> -> memref<1x256x128xf32, #tpu.memory_space<hbm>>
      %dma_start3A_67 = tpu.memref_squeeze %dma_start3A_66 : memref<1x256x128xf32, #tpu.memory_space<hbm>> -> memref<256x128xf32, #tpu.memory_space<hbm>>
      %dma_start3A_68 = arith.constant 1280 : i32
      %dma_start3A_69 = tpu.memref_slice %arg3[%select_n3A, %dma_start3A_68, %multiple_of3A] : memref<4x2048x1024xf32, #tpu.memory_space<hbm>> -> memref<1x256x128xf32, #tpu.memory_space<hbm>>
      %dma_start3A_70 = tpu.memref_squeeze %dma_start3A_69 : memref<1x256x128xf32, #tpu.memory_space<hbm>> -> memref<256x128xf32, #tpu.memory_space<hbm>>
      %dma_start3A_71 = arith.constant 0 : i32
      %dma_start3A_72 = arith.constant 0 : i32
      %dma_start3A_73 = tpu.memref_slice %arg4[%dma_start3A_71, %dma_start3A_72] : memref<256x129xf32, #tpu.memory_space<vmem>> -> memref<256x128xf32, #tpu.memory_space<vmem>>
      tpu.enqueue_dma source(%dma_start3A_73 : memref<256x128xf32, #tpu.memory_space<vmem>>) target(%dma_start3A_70 : memref<256x128xf32, #tpu.memory_space<hbm>>) target_semaphore(%run_scoped3A : memref<!tpu.dma_semaphore, #tpu.memory_space<semaphore_mem>>)
      %dma_wait3A = arith.constant 0 : i32
      %dma_wait3A_74 = arith.constant 0 : i32
      %dma_wait3A_75 = tpu.memref_slice %arg4[%dma_wait3A, %dma_wait3A_74] : memref<256x129xf32, #tpu.memory_space<vmem>> -> memref<256x128xf32, #tpu.memory_space<vmem>>
      %dma_wait3A_76 = arith.constant 1280 : i32
      %dma_wait3A_77 = tpu.memref_slice %arg3[%select_n3A, %dma_wait3A_76, %multiple_of3A] : memref<4x2048x1024xf32, #tpu.memory_space<hbm>> -> memref<1x256x128xf32, #tpu.memory_space<hbm>>
      %dma_wait3A_78 = tpu.memref_squeeze %dma_wait3A_77 : memref<1x256x128xf32, #tpu.memory_space<hbm>> -> memref<256x128xf32, #tpu.memory_space<hbm>>
      %dma_wait3A_79 = arith.constant 1280 : i32
      %dma_wait3A_80 = tpu.memref_slice %arg3[%select_n3A, %dma_wait3A_79, %multiple_of3A] : memref<4x2048x1024xf32, #tpu.memory_space<hbm>> -> memref<1x256x128xf32, #tpu.memory_space<hbm>>
      %dma_wait3A_81 = tpu.memref_squeeze %dma_wait3A_80 : memref<1x256x128xf32, #tpu.memory_space<hbm>> -> memref<256x128xf32, #tpu.memory_space<hbm>>
      %dma_wait3A_82 = arith.constant 0 : i32
      %dma_wait3A_83 = arith.constant 0 : i32
      %dma_wait3A_84 = tpu.memref_slice %arg4[%dma_wait3A_82, %dma_wait3A_83] : memref<256x129xf32, #tpu.memory_space<vmem>> -> memref<256x128xf32, #tpu.memory_space<vmem>>
      tpu.wait_dma2 semaphore(%run_scoped3A : memref<!tpu.dma_semaphore, #tpu.memory_space<semaphore_mem>>) src(%dma_wait3A_84 : memref<256x128xf32, #tpu.memory_space<vmem>>) dst(%dma_wait3A_81 : memref<256x128xf32, #tpu.memory_space<hbm>>)
      tpu.yield
    }) : () -> ()
    "tpu.region"() ({
      %run_scoped3A = tpu.sem_alloc : memref<!tpu.dma_semaphore, #tpu.memory_space<semaphore_mem>>
      %dma_start3A = arith.constant 0 : i32
      %dma_start3A_63 = arith.constant 0 : i32
      %dma_start3A_64 = tpu.memref_slice %arg4[%dma_start3A, %dma_start3A_63] : memref<256x129xf32, #tpu.memory_space<vmem>> -> memref<256x128xf32, #tpu.memory_space<vmem>>
      %dma_start3A_65 = arith.constant 1536 : i32
      %dma_start3A_66 = tpu.memref_slice %arg3[%select_n3A, %dma_start3A_65, %multiple_of3A] : memref<4x2048x1024xf32, #tpu.memory_space<hbm>> -> memref<1x256x128xf32, #tpu.memory_space<hbm>>
      %dma_start3A_67 = tpu.memref_squeeze %dma_start3A_66 : memref<1x256x128xf32, #tpu.memory_space<hbm>> -> memref<256x128xf32, #tpu.memory_space<hbm>>
      %dma_start3A_68 = arith.constant 1536 : i32
      %dma_start3A_69 = tpu.memref_slice %arg3[%select_n3A, %dma_start3A_68, %multiple_of3A] : memref<4x2048x1024xf32, #tpu.memory_space<hbm>> -> memref<1x256x128xf32, #tpu.memory_space<hbm>>
      %dma_start3A_70 = tpu.memref_squeeze %dma_start3A_69 : memref<1x256x128xf32, #tpu.memory_space<hbm>> -> memref<256x128xf32, #tpu.memory_space<hbm>>
      %dma_start3A_71 = arith.constant 0 : i32
      %dma_start3A_72 = arith.constant 0 : i32
      %dma_start3A_73 = tpu.memref_slice %arg4[%dma_start3A_71, %dma_start3A_72] : memref<256x129xf32, #tpu.memory_space<vmem>> -> memref<256x128xf32, #tpu.memory_space<vmem>>
      tpu.enqueue_dma source(%dma_start3A_73 : memref<256x128xf32, #tpu.memory_space<vmem>>) target(%dma_start3A_70 : memref<256x128xf32, #tpu.memory_space<hbm>>) target_semaphore(%run_scoped3A : memref<!tpu.dma_semaphore, #tpu.memory_space<semaphore_mem>>)
      %dma_wait3A = arith.constant 0 : i32
      %dma_wait3A_74 = arith.constant 0 : i32
      %dma_wait3A_75 = tpu.memref_slice %arg4[%dma_wait3A, %dma_wait3A_74] : memref<256x129xf32, #tpu.memory_space<vmem>> -> memref<256x128xf32, #tpu.memory_space<vmem>>
      %dma_wait3A_76 = arith.constant 1536 : i32
      %dma_wait3A_77 = tpu.memref_slice %arg3[%select_n3A, %dma_wait3A_76, %multiple_of3A] : memref<4x2048x1024xf32, #tpu.memory_space<hbm>> -> memref<1x256x128xf32, #tpu.memory_space<hbm>>
      %dma_wait3A_78 = tpu.memref_squeeze %dma_wait3A_77 : memref<1x256x128xf32, #tpu.memory_space<hbm>> -> memref<256x128xf32, #tpu.memory_space<hbm>>
      %dma_wait3A_79 = arith.constant 1536 : i32
      %dma_wait3A_80 = tpu.memref_slice %arg3[%select_n3A, %dma_wait3A_79, %multiple_of3A] : memref<4x2048x1024xf32, #tpu.memory_space<hbm>> -> memref<1x256x128xf32, #tpu.memory_space<hbm>>
      %dma_wait3A_81 = tpu.memref_squeeze %dma_wait3A_80 : memref<1x256x128xf32, #tpu.memory_space<hbm>> -> memref<256x128xf32, #tpu.memory_space<hbm>>
      %dma_wait3A_82 = arith.constant 0 : i32
      %dma_wait3A_83 = arith.constant 0 : i32
      %dma_wait3A_84 = tpu.memref_slice %arg4[%dma_wait3A_82, %dma_wait3A_83] : memref<256x129xf32, #tpu.memory_space<vmem>> -> memref<256x128xf32, #tpu.memory_space<vmem>>
      tpu.wait_dma2 semaphore(%run_scoped3A : memref<!tpu.dma_semaphore, #tpu.memory_space<semaphore_mem>>) src(%dma_wait3A_84 : memref<256x128xf32, #tpu.memory_space<vmem>>) dst(%dma_wait3A_81 : memref<256x128xf32, #tpu.memory_space<hbm>>)
      tpu.yield
    }) : () -> ()
    "tpu.region"() ({
      %run_scoped3A = tpu.sem_alloc : memref<!tpu.dma_semaphore, #tpu.memory_space<semaphore_mem>>
      %dma_start3A = arith.constant 0 : i32
      %dma_start3A_63 = arith.constant 0 : i32
      %dma_start3A_64 = tpu.memref_slice %arg4[%dma_start3A, %dma_start3A_63] : memref<256x129xf32, #tpu.memory_space<vmem>> -> memref<256x128xf32, #tpu.memory_space<vmem>>
      %dma_start3A_65 = arith.constant 1792 : i32
      %dma_start3A_66 = tpu.memref_slice %arg3[%select_n3A, %dma_start3A_65, %multiple_of3A] : memref<4x2048x1024xf32, #tpu.memory_space<hbm>> -> memref<1x256x128xf32, #tpu.memory_space<hbm>>
      %dma_start3A_67 = tpu.memref_squeeze %dma_start3A_66 : memref<1x256x128xf32, #tpu.memory_space<hbm>> -> memref<256x128xf32, #tpu.memory_space<hbm>>
      %dma_start3A_68 = arith.constant 1792 : i32
      %dma_start3A_69 = tpu.memref_slice %arg3[%select_n3A, %dma_start3A_68, %multiple_of3A] : memref<4x2048x1024xf32, #tpu.memory_space<hbm>> -> memref<1x256x128xf32, #tpu.memory_space<hbm>>
      %dma_start3A_70 = tpu.memref_squeeze %dma_start3A_69 : memref<1x256x128xf32, #tpu.memory_space<hbm>> -> memref<256x128xf32, #tpu.memory_space<hbm>>
      %dma_start3A_71 = arith.constant 0 : i32
      %dma_start3A_72 = arith.constant 0 : i32
      %dma_start3A_73 = tpu.memref_slice %arg4[%dma_start3A_71, %dma_start3A_72] : memref<256x129xf32, #tpu.memory_space<vmem>> -> memref<256x128xf32, #tpu.memory_space<vmem>>
      tpu.enqueue_dma source(%dma_start3A_73 : memref<256x128xf32, #tpu.memory_space<vmem>>) target(%dma_start3A_70 : memref<256x128xf32, #tpu.memory_space<hbm>>) target_semaphore(%run_scoped3A : memref<!tpu.dma_semaphore, #tpu.memory_space<semaphore_mem>>)
      %dma_wait3A = arith.constant 0 : i32
      %dma_wait3A_74 = arith.constant 0 : i32
      %dma_wait3A_75 = tpu.memref_slice %arg4[%dma_wait3A, %dma_wait3A_74] : memref<256x129xf32, #tpu.memory_space<vmem>> -> memref<256x128xf32, #tpu.memory_space<vmem>>
      %dma_wait3A_76 = arith.constant 1792 : i32
      %dma_wait3A_77 = tpu.memref_slice %arg3[%select_n3A, %dma_wait3A_76, %multiple_of3A] : memref<4x2048x1024xf32, #tpu.memory_space<hbm>> -> memref<1x256x128xf32, #tpu.memory_space<hbm>>
      %dma_wait3A_78 = tpu.memref_squeeze %dma_wait3A_77 : memref<1x256x128xf32, #tpu.memory_space<hbm>> -> memref<256x128xf32, #tpu.memory_space<hbm>>
      %dma_wait3A_79 = arith.constant 1792 : i32
      %dma_wait3A_80 = tpu.memref_slice %arg3[%select_n3A, %dma_wait3A_79, %multiple_of3A] : memref<4x2048x1024xf32, #tpu.memory_space<hbm>> -> memref<1x256x128xf32, #tpu.memory_space<hbm>>
      %dma_wait3A_81 = tpu.memref_squeeze %dma_wait3A_80 : memref<1x256x128xf32, #tpu.memory_space<hbm>> -> memref<256x128xf32, #tpu.memory_space<hbm>>
      %dma_wait3A_82 = arith.constant 0 : i32
      %dma_wait3A_83 = arith.constant 0 : i32
      %dma_wait3A_84 = tpu.memref_slice %arg4[%dma_wait3A_82, %dma_wait3A_83] : memref<256x129xf32, #tpu.memory_space<vmem>> -> memref<256x128xf32, #tpu.memory_space<vmem>>
      tpu.wait_dma2 semaphore(%run_scoped3A : memref<!tpu.dma_semaphore, #tpu.memory_space<semaphore_mem>>) src(%dma_wait3A_84 : memref<256x128xf32, #tpu.memory_space<vmem>>) dst(%dma_wait3A_81 : memref<256x128xf32, #tpu.memory_space<hbm>>)
      tpu.yield
    }) : () -> ()
    return
  }
}

</mosaic_0001>

<sc_bundles>
// kernel: sc_kmax_pool.3.cloned.1.call-start
scs
__scs_entry_jumppad:
0x0: {  	(pc) =	sbr.rel $0x88, $3  }
0x1: {  	(tag) =	ssettag $0x0;
	lr =	simm.s32 $0x1  }
0x2: {  	[smem:$0x3FA0] =	sst lr;
	_ =	strace $0xD0000000  }
0x3: {  	_ = 	snop  }
0x4: {  	_ = 	snop  }
0x5: {  	_ = 	snop  }
0x6: {  	_ = 	snop  }
0x7: {  	_ = 	snop  }
__scs_overlays_trampoline_lowered:
0x8: {  	[smem:$0x3FAF] =	sst s0  }
0x9: {  	[smem:$0x3FB0] =	sst s1  }
0xa: {  	[smem:$0x3FB1] =	sst s2  }
0xb: {  	[smem:$0x3FB2] =	sst s3  }
0xc: {  	[smem:$0x3FB3] =	sst s4  }
0xd: {  	[smem:$0x3FB4] =	sst s5  }
0xe: {  	[smem:$0x3FB5] =	sst s6  }
0xf: {  	[smem:$0x3FB6] =	sst s7  }
0x10: {  	[smem:$0x3FB7] =	sst s8  }
0x11: {  	[smem:$0x3FB8] =	sst s9;
	s0 =	simm.s32 @!p0 $0x0  }
0x12: {  	s1 =	sld [smem:$0x3F9E];
	s0 =	simm.s32 @p0 $0x1  }
0x13: {  	[smem:$0x3FB9] =	sst s0;
	s0 =	simm.s32 @!p1 $0x0  }
0x14: {  	s2 =	sld [smem:$0x3F9D];
	s0 =	simm.s32 @p1 $0x1  }
0x15: {  	[smem:$0x3FBA] =	sst s0;
	s0 =	simm.s32 @!p2 $0x0  }
0x16: {  	s3 =	sld [smem:$0x3FDB];
	s0 =	simm.s32 @p2 $0x1  }
0x17: {  	s4 =	simm.s32 $0x1BF5;
	[smem:$0x3FBC] =	sst s0  }
0x18: {  	s0 =	sld [smem:$0x3F9F];
	_ =	swait.ge [sflag:s4], $0x0  }
0x19: {  	s7 =	sld [smem:$0x3FA0]  }
0x1a: {  	s8 =	sadd.s32 $0xFFFFE003, lr  }
0x1b: {  	s9 =	sadd.s32 $0xFFFFFEF7, lr;
	s5 =	simm.s32 $0xFFFFFFFF;
	p2 =	slt.u32 s8, $0xFFFFF086  }
0x1c: {  	p1 =	slt.u32 s9, $0xF7A;
	s5 =	simm.s32 @!p2 $0x0  }
0x1d: {  	s5 =	simm.s32 @p1 $0x1;
	p0 =	seq.s32 s7, s2  }
0x1e: {  	s7 =	smul.u32 @!p0 $0xF7A, s2;
	p2 =	seq.s32 @!p0 s5, $0x0  }
0x1f: {  	s9 =	smul.u32 $0xF7A, s1;
	s8 =	simm.s32 @!p0 $0x1BF5;
	p2 =	por !p2, p0  }
0x20: {  	[sflag:s8] =	ssyncset.s32 @!p0 $0xFFFFF086;
	s6 =	sadd.s32 @!p0 s3, s7;
	s7 =	simm.s32 @!p0 $0x108  }
0x21: {  	s3 =	sadd.s32 s3, s9;
	s6 =	sadd.s32 @!p0 $0x88, s6;
	s7 =	simm.s32 @p2 $0x1082  }
0x22: {  	[simem:s7], [sflag:s8] =	dma.local @!p0 [hbm:s6], $0xF7A  }
0x23: {  	s9 =	sor.u32 $0xD0000000, s2;
	s6 =	simm.s32 $0x108;
	_ =	swait.ge @!p0 [sflag:s8], $0x0  }
0x24: {  	s3 =	sadd.s32 $0x88, s3;
	s6 =	simm.s32 @!p1 $0x1082;
	[sflag:s4] =	ssyncset.s32 $0xFFFFF086  }
0x25: {  	[simem:s6], [sflag:s4] =	dma.local [hbm:s3], $0xF7A  }
0x26: {  	[smem:$0x3FA0] =	sst s1;
	(tag) =	ssettag s2;
	_ =	strace s9  }
0x27: {  	s1 =	sld [smem:$0x3FB0]  }
0x28: {  	s2 =	sld [smem:$0x3FB1]  }
0x29: {  	s4 =	sld [smem:$0x3FB3]  }
0x2a: {  	p0 =	seq.s32 s5, $0x0;
	s5 =	sld [smem:$0x3FB4]  }
0x2b: {  	s6 =	sld [smem:$0x3FB5]  }
0x2c: {  	s7 =	sld [smem:$0x3FB6]  }
0x2d: {  	s3 =	simm.s32 $0x108;
	s8 =	sld [smem:$0x3FB7]  }
0x2e: {  	s3 =	simm.s32 @!p0 $0x1082;
	s9 =	sld [smem:$0x3FB8]  }
0x2f: {  	lr =	sadd.s32 s0, s3;
	s0 =	sld [smem:$0x3FAF]  }
0x30: {  	s3 =	sld [smem:$0x3FB2]  }
0x31: {  	[smem:$0x3FBB] =	sst s10  }
0x32: {  	s10 =	sld [smem:$0x3FB9];
	_ =	sdelay $0x3  }
0x33: {  	p0 =	seq.s32 s10, $0x1;
	s10 =	sld [smem:$0x3FBB];
	_ =	sdelay $0x3  }
0x34: {  	[smem:$0x3FBB] =	sst s10  }
0x35: {  	s10 =	sld [smem:$0x3FBA];
	_ =	sdelay $0x3  }
0x36: {  	p1 =	seq.s32 s10, $0x1;
	s10 =	sld [smem:$0x3FBB];
	_ =	sdelay $0x3  }
0x37: {  	[smem:$0x3FBB] =	sst s10  }
0x38: {  	s10 =	sld [smem:$0x3FBC]  }
0x39: {  	_ = 	snop;
	(pc) =	sbr.ind lr, $3  }
0x3a: {  	_ = 	snop  }
0x3b: {  	_ = 	snop  }
0x3c: {  	p2 =	seq.s32 s10, $0x1;
	s10 =	sld [smem:$0x3FBB]  }
0x3d: {  	_ =	shalt  }
0x3e: {  	_ =	shalt  }
0x3f: {  	_ =	shalt  }
0x40: {  	_ =	shalt  }
0x41: {  	_ =	shalt  }
0x42: {  	_ =	shalt  }
0x43: {  	_ =	shalt  }
0x44: {  	_ =	shalt  }
0x45: {  	_ =	shalt  }
0x46: {  	_ =	shalt  }
0x47: {  	_ =	shalt  }
0x48: {  	_ =	shalt  }
0x49: {  	_ =	shalt  }
0x4a: {  	_ =	shalt  }
0x4b: {  	_ =	shalt  }
0x4c: {  	_ =	shalt  }
0x4d: {  	_ =	shalt  }
0x4e: {  	_ =	shalt  }
0x4f: {  	_ =	shalt  }
0x50: {  	_ =	shalt  }
0x51: {  	_ =	shalt  }
0x52: {  	_ =	shalt  }
0x53: {  	_ =	shalt  }
0x54: {  	_ =	shalt  }
0x55: {  	_ =	shalt  }
0x56: {  	_ =	shalt  }
0x57: {  	_ =	shalt  }
0x58: {  	_ =	shalt  }
0x59: {  	_ =	shalt  }
0x5a: {  	_ =	shalt  }
0x5b: {  	_ =	shalt  }
0x5c: {  	_ =	shalt  }
0x5d: {  	_ =	shalt  }
0x5e: {  	_ =	shalt  }
0x5f: {  	_ =	shalt  }
0x60: {  	_ =	shalt  }
0x61: {  	_ =	shalt  }
0x62: {  	_ =	shalt  }
0x63: {  	_ =	shalt  }
0x64: {  	_ =	shalt  }
0x65: {  	_ =	shalt  }
0x66: {  	_ =	shalt  }
0x67: {  	_ =	shalt  }
0x68: {  	_ =	shalt  }
0x69: {  	_ =	shalt  }
0x6a: {  	_ =	shalt  }
0x6b: {  	_ =	shalt  }
0x6c: {  	_ =	shalt  }
0x6d: {  	_ =	shalt  }
0x6e: {  	_ =	shalt  }
0x6f: {  	_ =	shalt  }
0x70: {  	_ =	shalt  }
0x71: {  	_ =	shalt  }
0x72: {  	_ =	shalt  }
0x73: {  	_ =	shalt  }
0x74: {  	_ =	shalt  }
0x75: {  	_ =	shalt  }
0x76: {  	_ =	shalt  }
0x77: {  	_ =	shalt  }
0x78: {  	_ =	shalt  }
0x79: {  	_ =	shalt  }
0x7a: {  	_ =	shalt  }
0x7b: {  	_ =	shalt  }
0x7c: {  	_ =	shalt  }
0x7d: {  	_ =	shalt  }
0x7e: {  	_ =	shalt  }
0x7f: {  	_ =	shalt  }
0x80: {  	_ =	shalt  }
0x81: {  	_ =	shalt  }
0x82: {  	_ =	shalt  }
0x83: {  	_ =	shalt  }
0x84: {  	_ =	shalt  }
0x85: {  	_ =	shalt  }
0x86: {  	_ =	shalt  }
0x87: {  	_ =	shalt  }
.Lfunc_end0:
.L_simem_size_0:
called_computation_lowered:
.L_overlay_start_0:
0x88: {  	s2 =	sld [smem:$0x3FD9]  }
0x89: {  	s3 =	sld [smem:$0x3FFE];
	_ =	sdelay $0x1  }
0x8a: {  	s1 =	srdreg.scid  }
0x8b: {  	s0 =	sand.u32 $0x1, s1  }
0x8c: {  	s18 =	sshll.u32 s0, $0xA;
	s2 =	sadd.s32 s3, s2  }
0x8d: {  	s2 =	sadd.s32 s2, s18  }
0x8e: {  	[smem:$0x3FC7] =	sst s2  }
0x8f: {  	_ = 	snop  }
0x90: {  	s2 =	sld [smem:$0x3FC9]  }
0x91: {  	s19 =	sld [smem:$0x3FD0];
	(tm) =	ssettm $0x1  }
0x92: {  	s4 =	sld [smem:$0x3FFB];
	_ =	sdelay $0x3  }
0x93: {  	_ =	strace s4  }
0x94: {  	s4 =	sld [smem:$0x3FFC];
	_ =	sdelay $0x3  }
0x95: {  	_ =	strace s4  }
0x96: {  	s4 =	sld [smem:$0x3FFD];
	_ =	sdelay $0x3  }
0x97: {  	_ =	strace s4  }
0x98: {  	_ =	strace $0x8FFFFFFF  }
0x99: {  	s20 =	sld [smem:$0x3FDB];
	_ =	sdelay $0x1  }
0x9a: {  	s5 =	simm.s32 $_scs_section_size  }
0x9b: {  	s6 =	simm.s32 $_size__tile_overlayer_lowered;
	s7 =	simm.s32 $_tile_overlayer_lowered  }
0x9c: {  	s23 =	simm.s32 $0x1BFF;
	s22 =	sshll.u32 s7, $0x1;
	s4 =	sadd.s32 s5, s20  }
0x9d: {  	s8 =	simm.s32 $0x0;
	s21 =	sshll.u32 s6, $0x1;
	s6 =	sadd.s32 s22, s4  }
0x9e: {  	[timem:s8], [sflag:s23] =	dma.local [hbm:s6], s21  }
0x9f: {  	_ =	swait.ge [sflag:s23], s21  }
0xa0: {  	s5 =	ssub.s32 $0x0, s21;
	[sflag:s23] =	ssyncset.done $0x0  }
0xa1: {  	[sflag:s23] =	ssyncadd.s32 s5;
	_ =	sdelay $0x1  }
0xa2: {  	s24 =	simm.s32 $0x1B8B  }
0xa3: {  	_ =	swait.ge [sflag:s24], $0x1  }
0xa4: {  	[sflag:s24] =	ssyncset.done $0x0  }
0xa5: {  	s25 =	simm.s32 $0x1B8E;
	[sflag:s24] =	ssyncadd.s32 $0xFFFFFFFF  }
0xa6: {  	s26 =	simm.s32 $execute0_lowered;
	[smem:$0x3FD2] =	sst s25  }
0xa7: {  	s5 =	sshll.u32 s26, $0x1;
	_ =	strace $0x80000046;
	[dreg:$0x1] =	wrdreg $0xFFFFFFFF  }
0xa8: {  	s28 =	simm.s32 $_size_execute0_lowered;
	s4 =	sadd.s32 s4, s5;
	[dreg:$0x0] =	wrdreg $0x0  }
0xa9: {  	s5 =	sshll.u32 s28, $0x1;
	[dreg:$0x2] =	wrdreg s4  }
0xaa: {  	[dreg:$0x3] =	wrdreg s5  }
0xab: {  	[dreg:$0x4] =	wrdreg $0xC0  }
0xac: {  	_ =	task [dreg:s8], $0x5FFFF  }
0xad: {  	[dreg:$0x1] =	wrdreg $0xFFFFFFFF  }
0xae: {  	[dreg:$0x0] =	wrdreg $0x60  }
0xaf: {  	[dreg:$0x2] =	wrdreg s2  }
0xb0: {  	[dreg:$0x3] =	wrdreg s19  }
0xb1: {  	[dreg:$0x4] =	wrdreg $0x9  }
0xb2: {  	_ =	task.clear_ibuf [dreg:s8], $0x5FFFF;
	_ =	strace $0x90000046  }
0xb3: {  	s29 =	simm.s32 $0x9;
	_ =	strace $0x80000048  }
0xb4: {  	_ =	swait.ge [sflag:s29], $0x1  }
0xb5: {  	[sflag:s29] =	ssyncadd.s32 $0xFFFFFFFF  }
0xb6: {  	_ =	strace $0x90000048  }
0xb7: {  	_ =	sfence  }
0xb8: {  	s30 =	sld [smem:$0x0];
	_ =	sdelay $0x2  }
0xb9: {  	s31 =	sshll.u32 s1, $0xD;
	s1 =	sshrl.u32 s1, $0x2  }
0xba: {  	s3 =	sand.u32 $0x4000, s31;
	s1 =	sadd.s32 s1, s30  }
0xbb: {  	s0 =	sor.u32 s3, s0;
	s1 =	sshll.u32 s1, $0x11  }
0xbc: {  	s0 =	sor.u32 s1, s0  }
0xbd: {  	s0 =	sadd.s32 $0x8F2B, s0  }
0xbe: {  	[sflag:s0] =	ssyncadd.remote.s32 $0x1  }
0xbf: {  	_ =	sfence.sel $0xFFFF  }
0xc0: {  	[dreg:$0x0] =	wrdreg $0xFFFFFFFF;
	(pc) =	sbr.abs _section_cstart, $3  }
0xc1: {  	[dreg:$0x1] =	wrdreg $0xFFFFFFFF  }
0xc2: {  	_ =	task.clear_ibuf [dreg:s8], $0x2FFFF;
	_ =	strace $0x9FFFFFFF  }
0xc3: {  	(tm) =	ssettm $0x7FFFFFFF  }
tec
execute0_lowered:
.L_overlay_start_1:
0x0: {  	(tag) =	ssettag $0x1  }
0x1: {  	v0 =	vimm.s32 $0xB80;
	vm14 =	vcmask $0x300;
	vm13 =	vcmask $0x704  }
0x2: {  	vm12 =	vcmask $0xB08;
	vm11 =	vcmask $0xF0C;
	vm10 =	vcmask $0x1310  }
0x3: {  	vm9 =	vcmask $0x1714;
	vm8 =	vcmask $0x1B18;
	vm7 =	vcmask $0x1F1C  }
0x4: {  	vm6 =	vcmask $0x2320;
	vm5 =	vcmask $0x2724;
	vm4 =	vcmask $0x2B28  }
0x5: {  	vm3 =	vcmask $0x2F2C;
	vm2 =	vcmask $0x3330;
	vm1 =	vcmask $0x3734  }
0x6: {  	vm0 =	vcmask $0x3B38;
	v1 =	vimm.s32 $0x1B80;
	v2 =	vimm.s32 $0x2B80  }
0x7: {  	v3 =	vimm.s32 $0x3B80;
	v4 =	vimm.s32 $0x4B80;
	v5 =	vimm.s32 $0x5B80  }
0x8: {  	v6 =	vimm.s32 $0x6B80;
	v7 =	vimm.s32 $0x7B80;
	v8 =	vimm.s32 $0x8B80  }
0x9: {  	v9 =	vimm.s32 $0x9B80;
	v10 =	vimm.s32 $0xAB80;
	v11 =	vimm.s32 $0xBB80  }
0xa: {  	v12 =	vimm.s32 $0xCB80;
	v13 =	vimm.s32 $0xDB80;
	v14 =	vimm.s32 $0xEB80  }
0xb: {  	v15 =	vimm.s32 $0xFB80;
	v19 =	vimm.f32 $0.0e+00;
	v0 =	vsel vm14, $0x0, v0  }
0xc: {  	v1 =	vsel vm14, $0x1000, v1;
	v2 =	vsel vm14, $0x2000, v2;
	v3 =	vsel vm14, $0x3000, v3  }
0xd: {  	v4 =	vsel vm14, $0x4000, v4;
	v5 =	vsel vm14, $0x5000, v5;
	v6 =	vsel vm14, $0x6000, v6  }
0xe: {  	v7 =	vsel vm14, $0x7000, v7;
	v8 =	vsel vm14, $0x8000, v8;
	v9 =	vsel vm14, $0x9000, v9  }
0xf: {  	v10 =	vsel vm14, $0xA000, v10;
	v11 =	vsel vm14, $0xB000, v11;
	v12 =	vsel vm14, $0xC000, v12  }
0x10: {  	v13 =	vsel vm14, $0xD000, v13;
	v14 =	vsel vm14, $0xE000, v14;
	v15 =	vsel vm14, $0xF000, v15  }
0x11: {  	v0 =	vsel vm13, $0x80, v0;
	v1 =	vsel vm13, $0x1080, v1;
	v2 =	vsel vm13, $0x2080, v2  }
0x12: {  	v3 =	vsel vm13, $0x3080, v3;
	v4 =	vsel vm13, $0x4080, v4;
	v5 =	vsel vm13, $0x5080, v5  }
0x13: {  	v6 =	vsel vm13, $0x6080, v6;
	v7 =	vsel vm13, $0x7080, v7;
	v8 =	vsel vm13, $0x8080, v8  }
0x14: {  	v9 =	vsel vm13, $0x9080, v9;
	v10 =	vsel vm13, $0xA080, v10;
	v11 =	vsel vm13, $0xB080, v11  }
0x15: {  	v12 =	vsel vm13, $0xC080, v12;
	v13 =	vsel vm13, $0xD080, v13;
	v14 =	vsel vm13, $0xE080, v14  }
0x16: {  	v15 =	vsel vm13, $0xF080, v15;
	v0 =	vsel vm12, $0x100, v0;
	v1 =	vsel vm12, $0x1100, v1  }
0x17: {  	v2 =	vsel vm12, $0x2100, v2;
	v3 =	vsel vm12, $0x3100, v3;
	v4 =	vsel vm12, $0x4100, v4  }
0x18: {  	v5 =	vsel vm12, $0x5100, v5;
	v6 =	vsel vm12, $0x6100, v6;
	v7 =	vsel vm12, $0x7100, v7  }
0x19: {  	v8 =	vsel vm12, $0x8100, v8;
	v9 =	vsel vm12, $0x9100, v9;
	v10 =	vsel vm12, $0xA100, v10  }
0x1a: {  	v11 =	vsel vm12, $0xB100, v11;
	v12 =	vsel vm12, $0xC100, v12;
	v13 =	vsel vm12, $0xD100, v13  }
0x1b: {  	v14 =	vsel vm12, $0xE100, v14;
	v15 =	vsel vm12, $0xF100, v15;
	v0 =	vsel vm11, $0x180, v0  }
0x1c: {  	v1 =	vsel vm11, $0x1180, v1;
	v2 =	vsel vm11, $0x2180, v2;
	v3 =	vsel vm11, $0x3180, v3  }
0x1d: {  	v4 =	vsel vm11, $0x4180, v4;
	v5 =	vsel vm11, $0x5180, v5;
	v6 =	vsel vm11, $0x6180, v6  }
0x1e: {  	v7 =	vsel vm11, $0x7180, v7;
	v8 =	vsel vm11, $0x8180, v8;
	v9 =	vsel vm11, $0x9180, v9  }
0x1f: {  	v10 =	vsel vm11, $0xA180, v10;
	v11 =	vsel vm11, $0xB180, v11;
	v12 =	vsel vm11, $0xC180, v12  }
0x20: {  	v13 =	vsel vm11, $0xD180, v13;
	v14 =	vsel vm11, $0xE180, v14;
	v15 =	vsel vm11, $0xF180, v15  }
0x21: {  	v0 =	vsel vm10, $0x200, v0;
	v1 =	vsel vm10, $0x1200, v1;
	v2 =	vsel vm10, $0x2200, v2  }
0x22: {  	v3 =	vsel vm10, $0x3200, v3;
	v4 =	vsel vm10, $0x4200, v4;
	v5 =	vsel vm10, $0x5200, v5  }
0x23: {  	v6 =	vsel vm10, $0x6200, v6;
	v7 =	vsel vm10, $0x7200, v7;
	v8 =	vsel vm10, $0x8200, v8  }
0x24: {  	v9 =	vsel vm10, $0x9200, v9;
	v10 =	vsel vm10, $0xA200, v10;
	v11 =	vsel vm10, $0xB200, v11  }
0x25: {  	v12 =	vsel vm10, $0xC200, v12;
	v13 =	vsel vm10, $0xD200, v13;
	v14 =	vsel vm10, $0xE200, v14  }
0x26: {  	v15 =	vsel vm10, $0xF200, v15;
	v0 =	vsel vm9, $0x280, v0;
	v1 =	vsel vm9, $0x1280, v1  }
0x27: {  	v2 =	vsel vm9, $0x2280, v2;
	v3 =	vsel vm9, $0x3280, v3;
	v4 =	vsel vm9, $0x4280, v4  }
0x28: {  	v5 =	vsel vm9, $0x5280, v5;
	v6 =	vsel vm9, $0x6280, v6;
	v7 =	vsel vm9, $0x7280, v7  }
0x29: {  	v8 =	vsel vm9, $0x8280, v8;
	v9 =	vsel vm9, $0x9280, v9;
	v10 =	vsel vm9, $0xA280, v10  }
0x2a: {  	v11 =	vsel vm9, $0xB280, v11;
	v12 =	vsel vm9, $0xC280, v12;
	v13 =	vsel vm9, $0xD280, v13  }
0x2b: {  	v14 =	vsel vm9, $0xE280, v14;
	v15 =	vsel vm9, $0xF280, v15;
	v0 =	vsel vm8, $0x300, v0  }
0x2c: {  	v1 =	vsel vm8, $0x1300, v1;
	v2 =	vsel vm8, $0x2300, v2;
	v3 =	vsel vm8, $0x3300, v3  }
0x2d: {  	v4 =	vsel vm8, $0x4300, v4;
	v5 =	vsel vm8, $0x5300, v5;
	v6 =	vsel vm8, $0x6300, v6  }
0x2e: {  	v7 =	vsel vm8, $0x7300, v7;
	v8 =	vsel vm8, $0x8300, v8;
	v9 =	vsel vm8, $0x9300, v9  }
0x2f: {  	v10 =	vsel vm8, $0xA300, v10;
	v11 =	vsel vm8, $0xB300, v11;
	v12 =	vsel vm8, $0xC300, v12  }
0x30: {  	v13 =	vsel vm8, $0xD300, v13;
	v14 =	vsel vm8, $0xE300, v14;
	v15 =	vsel vm8, $0xF300, v15  }
0x31: {  	v0 =	vsel vm7, $0x380, v0;
	v1 =	vsel vm7, $0x1380, v1;
	v2 =	vsel vm7, $0x2380, v2  }
0x32: {  	v3 =	vsel vm7, $0x3380, v3;
	v4 =	vsel vm7, $0x4380, v4;
	v5 =	vsel vm7, $0x5380, v5  }
0x33: {  	v6 =	vsel vm7, $0x6380, v6;
	v7 =	vsel vm7, $0x7380, v7;
	v8 =	vsel vm7, $0x8380, v8  }
0x34: {  	v9 =	vsel vm7, $0x9380, v9;
	v10 =	vsel vm7, $0xA380, v10;
	v11 =	vsel vm7, $0xB380, v11  }
0x35: {  	v12 =	vsel vm7, $0xC380, v12;
	v13 =	vsel vm7, $0xD380, v13;
	v14 =	vsel vm7, $0xE380, v14  }
0x36: {  	v15 =	vsel vm7, $0xF380, v15;
	v0 =	vsel vm6, $0x800, v0;
	v1 =	vsel vm6, $0x1800, v1  }
0x37: {  	v2 =	vsel vm6, $0x2800, v2;
	v3 =	vsel vm6, $0x3800, v3;
	v4 =	vsel vm6, $0x4800, v4  }
0x38: {  	v5 =	vsel vm6, $0x5800, v5;
	v6 =	vsel vm6, $0x6800, v6;
	v7 =	vsel vm6, $0x7800, v7  }
0x39: {  	v8 =	vsel vm6, $0x8800, v8;
	v9 =	vsel vm6, $0x9800, v9;
	v10 =	vsel vm6, $0xA800, v10  }
0x3a: {  	v11 =	vsel vm6, $0xB800, v11;
	v12 =	vsel vm6, $0xC800, v12;
	v13 =	vsel vm6, $0xD800, v13  }
0x3b: {  	v14 =	vsel vm6, $0xE800, v14;
	v15 =	vsel vm6, $0xF800, v15;
	v0 =	vsel vm5, $0x880, v0  }
0x3c: {  	v1 =	vsel vm5, $0x1880, v1;
	v2 =	vsel vm5, $0x2880, v2;
	v3 =	vsel vm5, $0x3880, v3  }
0x3d: {  	v4 =	vsel vm5, $0x4880, v4;
	v5 =	vsel vm5, $0x5880, v5;
	v6 =	vsel vm5, $0x6880, v6  }
0x3e: {  	v7 =	vsel vm5, $0x7880, v7;
	v8 =	vsel vm5, $0x8880, v8;
	v9 =	vsel vm5, $0x9880, v9  }
0x3f: {  	v10 =	vsel vm5, $0xA880, v10;
	v11 =	vsel vm5, $0xB880, v11;
	v12 =	vsel vm5, $0xC880, v12  }
0x40: {  	v13 =	vsel vm5, $0xD880, v13;
	v14 =	vsel vm5, $0xE880, v14;
	v15 =	vsel vm5, $0xF880, v15  }
0x41: {  	v0 =	vsel vm4, $0x900, v0;
	v1 =	vsel vm4, $0x1900, v1;
	v2 =	vsel vm4, $0x2900, v2  }
0x42: {  	v3 =	vsel vm4, $0x3900, v3;
	v4 =	vsel vm4, $0x4900, v4;
	v5 =	vsel vm4, $0x5900, v5  }
0x43: {  	v6 =	vsel vm4, $0x6900, v6;
	v7 =	vsel vm4, $0x7900, v7;
	v8 =	vsel vm4, $0x8900, v8  }
0x44: {  	v9 =	vsel vm4, $0x9900, v9;
	v10 =	vsel vm4, $0xA900, v10;
	v11 =	vsel vm4, $0xB900, v11  }
0x45: {  	v12 =	vsel vm4, $0xC900, v12;
	v13 =	vsel vm4, $0xD900, v13;
	v14 =	vsel vm4, $0xE900, v14  }
0x46: {  	v15 =	vsel vm4, $0xF900, v15;
	v0 =	vsel vm3, $0x980, v0;
	v1 =	vsel vm3, $0x1980, v1  }
0x47: {  	v2 =	vsel vm3, $0x2980, v2;
	v3 =	vsel vm3, $0x3980, v3;
	v4 =	vsel vm3, $0x4980, v4  }
0x48: {  	v5 =	vsel vm3, $0x5980, v5;
	v6 =	vsel vm3, $0x6980, v6;
	v7 =	vsel vm3, $0x7980, v7  }
0x49: {  	v8 =	vsel vm3, $0x8980, v8;
	v9 =	vsel vm3, $0x9980, v9;
	v10 =	vsel vm3, $0xA980, v10  }
0x4a: {  	v11 =	vsel vm3, $0xB980, v11;
	v12 =	vsel vm3, $0xC980, v12;
	v13 =	vsel vm3, $0xD980, v13  }
0x4b: {  	v0 =	vsel vm2, $0xA00, v0;
	v1 =	vsel vm2, $0x1A00, v1;
	v2 =	vsel vm2, $0x2A00, v2  }
0x4c: {  	v3 =	vsel vm2, $0x3A00, v3;
	v4 =	vsel vm2, $0x4A00, v4;
	v5 =	vsel vm2, $0x5A00, v5  }
0x4d: {  	v6 =	vsel vm2, $0x6A00, v6;
	v7 =	vsel vm2, $0x7A00, v7;
	v8 =	vsel vm2, $0x8A00, v8  }
0x4e: {  	v9 =	vsel vm2, $0x9A00, v9;
	v10 =	vsel vm2, $0xAA00, v10;
	v11 =	vsel vm2, $0xBA00, v11  }
0x4f: {  	v12 =	vsel vm2, $0xCA00, v12;
	v13 =	vsel vm2, $0xDA00, v13;
	v0 =	vsel vm1, $0xA80, v0  }
0x50: {  	s0 =	stileid.u32;
	s1 =	srdreg.scid;
	v1 =	vsel vm1, $0x1A80, v1;
	v2 =	vsel vm1, $0x2A80, v2;
	v3 =	vsel vm1, $0x3A80, v3  }
0x51: {  	s6 =	rddreg [dreg:$0x1];
	s16 =	simm.s32 $0x1;
	s17 =	simm.s32 $0x10000;
	v4 =	vsel vm1, $0x4A80, v4;
	v5 =	vsel vm1, $0x5A80, v5;
	v6 =	vsel vm1, $0x6A80, v6  }
0x52: {  	s18 =	simm.s32 $0x14000;
	s19 =	simm.s32 $0x1C400;
	s20 =	simm.s32 $0x400;
	v7 =	vsel vm1, $0x7A80, v7;
	v8 =	vsel vm1, $0x8A80, v8;
	v9 =	vsel vm1, $0x9A80, v9  }
0x53: {  	s21 =	simm.s32 $0x2000;
	s22 =	simm.s32 $0x0;
	s2 =	sshll.u32 s0, $0x1;
	v10 =	vsel vm1, $0xAA80, v10;
	v11 =	vsel vm1, $0xBA80, v11;
	v12 =	vsel vm1, $0xCA80, v12  }
0x54: {  	s5 =	sand.u32 $0x1, s1;
	s3 =	sshll.u32 s0, $0x13;
	s2 =	sand.u32 $0x6, s2;
	v16 =	vsel vm1, $0xDA80, v13;
	v13 =	vsel vm3, $0xE980, v14;
	v14 =	vsel vm3, $0xF980, v15  }
0x55: {  	s1 =	rddreg [dreg:$0x0];
	s4 =	sand.u32 $0x600000, s3;
	s2 =	sor.u32 s5, s2;
	v0 =	vsel vm0, $0xB00, v0;
	v1 =	vsel vm0, $0x1B00, v1;
	v2 =	vsel vm0, $0x2B00, v2  }
0x56: {  	s3 =	simm.s32 $0x0;
	s31 =	ssub.s32 $0x2, s5;
	s7 =	sshll.u32 s2, $0xA;
	v3 =	vsel vm0, $0x3B00, v3;
	v4 =	vsel vm0, $0x4B00, v4;
	v5 =	vsel vm0, $0x5B00, v5  }
0x57: {  	[smem:$0x7FF] =	sst s3;
	s9 =	sshrl.u32 s31, $0x1;
	s4 =	sor.u32 s4, s7;
	v6 =	vsel vm0, $0x6B00, v6;
	v7 =	vsel vm0, $0x7B00, v7;
	v8 =	vsel vm0, $0x8B00, v8  }
0x58: {  	s2 =	rddreg [dreg:$0x2];
	s15 =	ssub.s32 s31, s9;
	s8 =	sshrl.u32 s4, $0x3;
	v9 =	vsel vm0, $0x9B00, v9;
	v10 =	vsel vm0, $0xAB00, v10;
	v11 =	vsel vm0, $0xBB00, v11  }
0x59: {  	_ =	strace $0x80000047;
	s15 =	smax.u32 s15, $0x1;
	s5 =	sadd.s32 s6, s8;
	v12 =	vsel vm0, $0xCB00, v12;
	v15 =	vsel vm2, $0xEA00, v13;
	v13 =	vlaneseq.u32  }
0x5a: {  	s6 =	sadd.s32 s1, s8;
	s7 =	sadd.s32 $0x2000, s5;
	s8 =	sadd.s32 $0x8000, s5;
	v14 =	vsel vm2, $0xFA00, v14;
	v15 =	vsel vm1, $0xEA80, v15;
	v18 =	vmul.u32 $0xFFFFFFFF, v13  }
0x5b: {  	s9 =	sadd.s32 $0x10000, s5;
	s10 =	sadd.s32 $0x18000, s5;
	s11 =	sadd.s32 $0x20000, s5;
	v17 =	vsel vm1, $0xFA80, v14;
	v14 =	vsel vm0, $0xDB00, v16;
	v15 =	vsel vm0, $0xEB00, v15  }
0x5c: {  	s12 =	sadd.s32 $0x28000, s5;
	s13 =	sadd.s32 $0x30000, s5;
	s14 =	sadd.s32 $0x38000, s5;
	v16 =	vsel vm0, $0xFB00, v17;
	v17 =	vadd.s32 $0xF, v18;
	v18 =	vimm.s32 $0x0  }
.LBB2_1:
0x5d: {  	s23 =	simm.s32 $0x400  }
0x5e: {  	s26 =	sadd.s32 $0x0, s6;
	s25 =	simm.s32 $0x800;
	s24 =	simm.s32 $0x0  }
.LBB2_2:
0x5f: {  	[tilespmem:s24], [sflag:$0x1] =	stream.linear.gather [hbm4b:s26+s3], $0x400, $0x38;
	[tilespmem:$0x1E400] =	vst v63  }
0x60: {  	s26 =	smov.u32 s23;
	s24 =	smov.u32 s25;
	p0 =	sne.s32 s23, $0x7C00  }
.Ltmp0:
0x61: {  	s23 =	sadd.s32 $0x400, s23;
	(pc) =	sbr.rel @p0 .LBB2_2-.Ltmp0, $2  }
0x62: {  	_ =	sdelay $0x2  }
0x63: {  	s25 =	sadd.s32 $0x800, s25;
	s26 =	sadd.s32 s26, s6  }
0x64: {  	s23 =	simm.s32 $0x0  }
0x65: {  	v20 =	vor.u32 s23, v16  }
0x66: {  	[tilespmem:s24], [sflag:$0x1] =	stream.linear.gather [hbm4b:s26+s3], $0x400, $0x38;
	v21 =	vor.u32 s23, v15;
	[tilespmem:$0x1E400] =	vst v63  }
0x67: {  	_ =	swait.ge [sflag:s16], $0x8000;
	v22 =	vor.u32 s23, v14  }
0x68: {  	v23 =	vor.u32 s23, v11;
	[sflag:s16] =	ssyncset.done $0x0  }
0x69: {  	v24 =	vor.u32 s23, v12;
	[sflag:s16] =	ssyncadd.s32 $0xFFFF8000  }
0x6a: {  	v25 =	vor.u32 s23, v10;
	v20 =	vld.idx.msk [tilespmem:v20+s3+$0x0], $0xffff  }
0x6b: {  	v26 =	vor.u32 s23, v9;
	v21 =	vld.idx.msk [tilespmem:v21+s3+$0x0], $0xffff  }
0x6c: {  	v22 =	vld.idx.msk [tilespmem:v22+s3+$0x0], $0xffff  }
0x6d: {  	v27 =	vor.u32 s23, v8;
	v23 =	vld.idx.msk [tilespmem:v23+s3+$0x0], $0xffff  }
0x6e: {  	v24 =	vld.idx.msk [tilespmem:v24+s3+$0x0], $0xffff  }
0x6f: {  	v25 =	vld.idx.msk [tilespmem:v25+s3+$0x0], $0xffff;
	(xrf1) =	vsort.ascd.msk.f32 $0xffff, v20, v20  }
0x70: {  	v20 =	vld.idx.msk [tilespmem:v26+s3+$0x0], $0xffff;
	(xrf1) =	vsort.ascd.msk.f32 $0xffff, v21, v21  }
0x71: {  	(xrf1) =	vsort.ascd.msk.f32 $0xffff, v22, v22  }
0x72: {  	v21 =	vor.u32 s23, v7;
	v22 =	vld.idx.msk [tilespmem:v27+s3+$0x0], $0xffff;
	(xrf1) =	vsort.ascd.msk.f32 $0xffff, v23, v23  }
0x73: {  	v23 =	vor.u32 s23, v6;
	(xrf1) =	vsort.ascd.msk.f32 $0xffff, v24, v24  }
0x74: {  	v49 =	vor.u32 s23, v5;
	(xrf1) =	vsort.ascd.msk.f32 $0xffff, v25, v25  }
0x75: {  	v50 =	vor.u32 s23, v4;
	(xrf1) =	vsort.ascd.msk.f32 $0xffff, v20, v20  }
0x76: {  	v20 =	vor.u32 s23, v3  }
0x77: {  	v51 =	vor.u32 s23, v1;
	v21 =	vld.idx.msk [tilespmem:v21+s3+$0x0], $0xffff;
	(xrf1) =	vsort.ascd.msk.f32 $0xffff, v22, v22  }
0x78: {  	v22 =	vor.u32 s23, v2;
	v23 =	vld.idx.msk [tilespmem:v23+s3+$0x0], $0xffff  }
0x79: {  	v52 =	vor.u32 s23, v0;
	v24 =	vld.idx.msk [tilespmem:v49+s3+$0x0], $0xffff  }
0x7a: {  	v25 =	vld.idx.msk [tilespmem:v50+s3+$0x0], $0xffff  }
0x7b: {  	v20 =	vld.idx.msk [tilespmem:v20+s3+$0x0], $0xffff  }
0x7c: {  	(xrf1) =	vsort.ascd.msk.f32 $0xffff, v21, v21;
	v21 =	vld.idx.msk [tilespmem:v51+s3+$0x0], $0xffff  }
0x7d: {  	v22 =	vld.idx.msk [tilespmem:v22+s3+$0x0], $0xffff;
	(xrf1) =	vsort.ascd.msk.f32 $0xffff, v23, v23;
	v23, _, _ =	vpop (xrf1)  }
0x7e: {  	v53 =	vld.idx.msk [tilespmem:v52+s3+$0x0], $0xffff;
	(xrf1) =	vsort.ascd.msk.f32 $0xffff, v24, v24;
	v54, _, _ =	vpop (xrf1)  }
0x7f: {  	(xrf1) =	vsort.ascd.msk.f32 $0xffff, v25, v25;
	v55, _, _ =	vpop (xrf1)  }
0x80: {  	(xrf1) =	vsort.ascd.msk.f32 $0xffff, v20, v20;
	v20, _, _ =	vpop (xrf1)  }
0x81: {  	v23 =	vperm.xlane v23, v17;
	(xrf1) =	vsort.ascd.msk.f32 $0xffff, v21, v21;
	v21, _, _ =	vpop (xrf1)  }
0x82: {  	(xrf1) =	vsort.ascd.msk.f32 $0xffff, v22, v22;
	v22, _, _ =	vpop (xrf1)  }
0x83: {  	v25 =	vperm.xlane v55, v17;
	v56 =	vmin.f32 v54, v23;
	(xrf1) =	vsort.ascd.msk.f32 $0xffff, v53, v53;
	v57, _, _ =	vpop (xrf1)  }
0x84: {  	v23 =	vmax.f32 v54, v23;
	(xrf1) =	vsort.ascd.msk.f32 $0xffff, v56, v56;
	v24 =	vperm.xlane v57, v17  }
0x85: {  	v58 =	vmin.f32 v21, v25;
	v59, _, _ =	vpop (xrf1);
	(xrf1) =	vsort.ascd.msk.f32 $0xffff, v23, v23  }
0x86: {  	v20 =	vperm.xlane v20, v17;
	(xrf1) =	vsort.ascd.msk.f32 $0xffff, v58, v58;
	v23 =	vmin.f32 v59, v24  }
0x87: {  	v24 =	vmax.f32 v59, v24;
	(xrf1) =	vsort.ascd.msk.f32 $0xffff, v23, v23  }
0x88: {  	v21 =	vmax.f32 v21, v25;
	v23 =	vmin.f32 v22, v20;
	(xrf1) =	vsort.ascd.msk.f32 $0xffff, v24, v24  }
0x89: {  	v20 =	vmax.f32 v22, v20;
	(xrf1) =	vsort.ascd.msk.f32 $0xffff, v23, v23  }
0x8a: {  	v22, _, _ =	vpop (xrf1);
	(xrf1) =	vsort.ascd.msk.f32 $0xffff, v21, v21  }
0x8b: {  	v21, _, _ =	vpop (xrf1);
	(xrf1) =	vsort.ascd.msk.f32 $0xffff, v20, v20  }
0x8c: {  	v22 =	vperm.xlane v22, v17;
	v20, _, _ =	vpop (xrf1)  }
0x8d: {  	v23, _, _ =	vpop (xrf1);
	v20 =	vperm.xlane v20, v17  }
0x8e: {  	v62 =	vmin.f32 v21, v22;
	v60, _, _ =	vpop (xrf1)  }
0x8f: {  	(xrf1) =	vsort.ascd.msk.f32 $0xffff, v62, v62;
	v61, _, _ =	vpop (xrf1);
	v28 =	vmax.f32 v23, v20  }
0x90: {  	v21 =	vmax.f32 v21, v22;
	v22 =	vperm.xlane v60, v17;
	v63, _, _ =	vpop (xrf1);
	(xrf1) =	vsort.ascd.msk.f32 $0xffff, v28, v28  }
0x91: {  	v20 =	vmin.f32 v23, v20;
	v32, _, _ =	vpop (xrf1);
	(xrf1) =	vsort.ascd.msk.f32 $0xffff, v21, v21  }
0x92: {  	v21 =	vperm.xlane v61, v17;
	v33, _, _ =	vpop (xrf1);
	(xrf1) =	vsort.ascd.msk.f32 $0xffff, v20, v20;
	v20 =	vmin.f32 v63, v22  }
0x93: {  	v23, _, _ =	vpop (xrf1)  }
0x94: {  	v35 =	vmin.f32 v32, v21;
	v21 =	vmax.f32 v32, v21;
	v34, _, _ =	vpop (xrf1)  }
0x95: {  	(xrf1) =	vsort.ascd.msk.f32 $0xffff, v20, v20;
	v20, _, _ =	vpop (xrf1)  }
0x96: {  	(xrf1) =	vsort.ascd.msk.f32 $0xffff, v35, v35;
	v23 =	vperm.xlane v23, v17;
	v36, _, _ =	vpop (xrf1)  }
0x97: {  	v22 =	vmax.f32 v63, v22;
	v24 =	vperm.xlane v33, v17;
	(xrf1) =	vsort.ascd.msk.f32 $0xffff, v21, v21;
	v21, _, _ =	vpop (xrf1)  }
0x98: {  	(xrf1) =	vsort.ascd.msk.f32 $0xffff, v22, v22;
	v22 =	vmin.f32 v34, v23;
	v37, _, _ =	vpop (xrf1)  }
0x99: {  	v23 =	vmax.f32 v34, v23;
	v21 =	vperm.xlane v21, v17;
	v38 =	vmin.f32 v37, v24;
	v39, _, _ =	vpop (xrf1)  }
0x9a: {  	v24 =	vmax.f32 v37, v24;
	v40 =	vperm.xlane v39, v17;
	v41 =	vmin.f32 v22, v38  }
0x9b: {  	v29 =	vmax.f32 v36, v21;
	v30 =	vmin.f32 v23, v24;
	(xrf1) =	vsort.ascd.msk.f32 $0xffff, v41, v41  }
0x9c: {  	v22 =	vmax.f32 v22, v38;
	v42 =	vmax.f32 v20, v40;
	(xrf1) =	vsort.ascd.msk.f32 $0xffff, v30, v30  }
0x9d: {  	v43 =	vmax.f32 v42, v29;
	(xrf1) =	vsort.ascd.msk.f32 $0xffff, v22, v22;
	v22 =	vmax.f32 v23, v24  }
0x9e: {  	v21 =	vmin.f32 v36, v21;
	v20 =	vmin.f32 v20, v40;
	(xrf1) =	vsort.ascd.msk.f32 $0xffff, v43, v43  }
0x9f: {  	v23 =	vmin.f32 v20, v21;
	v20 =	vmax.f32 v20, v21;
	(xrf1) =	vsort.ascd.msk.f32 $0xffff, v22, v22  }
0xa0: {  	v22, _, _ =	vpop (xrf1);
	(xrf1) =	vsort.ascd.msk.f32 $0xffff, v23, v23;
	v23 =	vmin.f32 v42, v29  }
0xa1: {  	v21, _, _ =	vpop (xrf1)  }
0xa2: {  	(xrf1) =	vsort.ascd.msk.f32 $0xffff, v20, v20;
	v20, _, _ =	vpop (xrf1)  }
0xa3: {  	v22 =	vperm.xlane v22, v17;
	(xrf1) =	vsort.ascd.msk.f32 $0xffff, v23, v23;
	v23, _, _ =	vpop (xrf1)  }
0xa4: {  	v20 =	vperm.xlane v20, v17;
	v44, _, _ =	vpop (xrf1)  }
0xa5: {  	v46 =	vmin.f32 v21, v22;
	v45, _, _ =	vpop (xrf1)  }
0xa6: {  	v21 =	vmax.f32 v21, v22;
	v22 =	vmin.f32 v23, v20;
	v20 =	vmax.f32 v23, v20;
	v47, _, _ =	vpop (xrf1)  }
0xa7: {  	v24 =	vperm.xlane v44, v17;
	v49 =	vmin.f32 v20, v21;
	v50 =	vmin.f32 v22, v46;
	v23, _, _ =	vpop (xrf1)  }
0xa8: {  	v22 =	vmax.f32 v22, v46;
	v20 =	vmax.f32 v20, v21;
	v23 =	vperm.xlane v23, v17  }
0xa9: {  	v48 =	vmin.f32 v47, v24;
	v24 =	vmax.f32 v47, v24;
	(xrf1) =	vsort.ascd.msk.f32 $0xffff, v49, v49  }
0xaa: {  	(xrf1) =	vsort.ascd.msk.f32 $0xffff, v50, v50;
	v51, _, _ =	vpop (xrf1);
	v52 =	vmax.f32 v45, v23;
	v23 =	vmin.f32 v45, v23  }
0xab: {  	(xrf1) =	vsort.ascd.msk.f32 $0xffff, v22, v22;
	v53, _, _ =	vpop (xrf1);
	v54 =	vmax.f32 v52, v24;
	v21 =	vmin.f32 v23, v48  }
0xac: {  	v22, _, _ =	vpop (xrf1);
	(xrf1) =	vsort.ascd.msk.f32 $0xffff, v54, v54  }
0xad: {  	v55, _, _ =	vpop (xrf1);
	(xrf1) =	vsort.ascd.msk.f32 $0xffff, v21, v21  }
0xae: {  	v56 =	vperm.xlane v51, v17;
	v24 =	vmin.f32 v52, v24;
	v21, _, _ =	vpop (xrf1);
	(xrf1) =	vsort.ascd.msk.f32 $0xffff, v20, v20  }
0xaf: {  	v23 =	vmax.f32 v23, v48;
	v20 =	vperm.xlane v53, v17;
	v57, _, _ =	vpop (xrf1);
	(xrf1) =	vsort.ascd.msk.f32 $0xffff, v24, v24  }
0xb0: {  	v22 =	vperm.xlane v22, v17;
	v21 =	vperm.xlane v21, v17;
	v58, _, _ =	vpop (xrf1);
	(xrf1) =	vsort.ascd.msk.f32 $0xffff, v23, v23  }
0xb1: {  	v23 =	vmax.f32 v55, v56;
	v59, _, _ =	vpop (xrf1);
	v20 =	vmax.f32 v58, v20  }
0xb2: {  	v21 =	vmax.f32 v57, v21;
	v22 =	vmax.f32 v59, v22;
	v24 =	vmin.f32 v20, v23  }
0xb3: {  	v20 =	vmax.f32 v20, v23;
	v25 =	vmin.f32 v21, v22;
	v21 =	vmax.f32 v21, v22  }
0xb4: {  	v22 =	vmin.f32 v25, v24;
	v23 =	vmin.f32 v21, v20;
	v20 =	vmax.f32 v21, v20  }
0xb5: {  	v21 =	vmax.f32 v25, v24;
	(xrf1) =	vsort.ascd.msk.f32 $0xffff, v22, v22  }
0xb6: {  	(xrf1) =	vsort.ascd.msk.f32 $0xffff, v23, v23  }
0xb7: {  	(xrf1) =	vsort.ascd.msk.f32 $0xffff, v20, v20;
	v20, _, _ =	vpop (xrf1)  }
0xb8: {  	(xrf1) =	vsort.ascd.msk.f32 $0xffff, v21, v21;
	v21, _, _ =	vpop (xrf1)  }
0xb9: {  	v22, _, _ =	vpop (xrf1)  }
0xba: {  	v23, _, _ =	vpop (xrf1)  }
0xbb: {  	v60, _, _ =	vpop (xrf1)  }
0xbc: {  	v20 =	vperm.xlane v20, v17;
	v21 =	vperm.xlane v21, v17;
	v61, _, _ =	vpop (xrf1)  }
0xbd: {  	v22 =	vperm.xlane v22, v17;
	v25 =	vperm.xlane v61, v17;
	v62, _, _ =	vpop (xrf1)  }
0xbe: {  	v21 =	vmax.f32 v23, v21;
	v23, _, _ =	vpop (xrf1)  }
0xbf: {  	v22 =	vmax.f32 v62, v22;
	v24 =	vmax.f32 v60, v25;
	v20 =	vmax.f32 v23, v20  }
0xc0: {  	v25 =	vmin.f32 v24, v22;
	v63 =	vmin.f32 v20, v21  }
0xc1: {  	v22 =	vmax.f32 v24, v22;
	v21 =	vmax.f32 v20, v21;
	v20 =	vmin.f32 v25, v63  }
0xc2: {  	v24 =	vmax.f32 v22, v21;
	(xrf1) =	vsort.ascd.msk.f32 $0xffff, v20, v20  }
0xc3: {  	v23, _, _ =	vpop (xrf1);
	(xrf1) =	vsort.ascd.msk.f32 $0xffff, v24, v24  }
0xc4: {  	v25 =	vmax.f32 v25, v63  }
0xc5: {  	(xrf1) =	vsort.ascd.msk.f32 $0xffff, v25, v25;
	_ =	sdelay $0x2  }
0xc6: {  	v22 =	vmin.f32 v22, v21  }
0xc7: {  	v20, _, _ =	vpop (xrf1)  }
0xc8: {  	v21, _, _ =	vpop (xrf1);
	(xrf1) =	vsort.ascd.msk.f32 $0xffff, v22, v22  }
0xc9: {  	s24 =	simm.s32 $0x10020;
	s25 =	simm.s32 $0x1;
	s23 =	simm.s32 $0x10020;
	v22, _, _ =	vpop (xrf1)  }
.LBB2_4:
0xca: {  	_ = 	snop  }
0xcb: {  	p0 =	sne.s32 s25, $0x7F  }
0xcc: {  	s24 =	sadd.s32 $0x80, s24;
	s26 =	smov.u32 s25;
	s25 =	sadd.s32 $0x1, s25  }
0xcd: {  	_ = 	snop  }
0xce: {  	v23 =	vperm.xlane v23, v17;
	v24, _, _ =	vpop (xrf1)  }
0xcf: {  	v25, _, _ =	vpop (xrf1)  }
0xd0: {  	v23 =	vmax.f32 v25, v23  }
0xd1: {  	v25, _, _ =	vpop (xrf1)  }
0xd2: {  	v26 =	vor.u32 s26, v11  }
0xd3: {  	v20 =	vperm.xlane v20, v17;
	v27 =	vor.u32 s26, v3  }
0xd4: {  	v21 =	vperm.xlane v21, v17;
	v28 =	vor.u32 s26, v10  }
0xd5: {  	v22 =	vperm.xlane v22, v17;
	v29 =	vor.u32 s26, v9;
	v20 =	vmax.f32 v25, v20  }
0xd6: {  	v21 =	vmax.f32 v24, v21;
	v25 =	vor.u32 s26, v7;
	v24 =	vmax.f32 v20, v23;
	v30, _, _ =	vpop (xrf1)  }
0xd7: {  	v31 =	vor.u32 s26, v8;
	v20 =	vmin.f32 v20, v23;
	v22 =	vmax.f32 v30, v22  }
0xd8: {  	v23 =	vor.u32 s26, v5;
	v30 =	vor.u32 s26, v6;
	v32 =	vmin.f32 v21, v22  }
0xd9: {  	v21 =	vmax.f32 v21, v22;
	v22 =	vmin.f32 v32, v20;
	v20 =	vmax.f32 v32, v20  }
0xda: {  	v32 =	vor.u32 s26, v4;
	v33 =	vmin.f32 v21, v24;
	v21 =	vmax.f32 v21, v24;
	(xrf1) =	vsort.ascd.msk.f32 $0xffff, v22, v22  }
0xdb: {  	(xrf1) =	vsort.ascd.msk.f32 $0xffff, v20, v20  }
0xdc: {  	(xrf1) =	vsort.ascd.msk.f32 $0xffff, v33, v33  }
0xdd: {  	(xrf1) =	vsort.ascd.msk.f32 $0xffff, v21, v21;
	_ =	sdelay $0xa  }
0xde: {  	v20, _, _ =	vpop (xrf1)  }
0xdf: {  	[tilespmem:s23+$0xFFFFFFE0] =	vst v20;
	v20, _, _ =	vpop (xrf1)  }
0xe0: {  	[tilespmem:s23+$0xFFFFFFF0] =	vst v20;
	v20, _, _ =	vpop (xrf1)  }
0xe1: {  	[tilespmem:s23+$0x0] =	vst v20;
	v20, _, _ =	vpop (xrf1)  }
0xe2: {  	[tilespmem:s23+$0x10] =	vst v20;
	s23 =	smov.u32 s24  }
0xe3: {  	v20 =	vor.u32 s26, v16  }
0xe4: {  	v21 =	vor.u32 s26, v15  }
0xe5: {  	v22 =	vor.u32 s26, v14;
	_ =	sdelay $0x1  }
0xe6: {  	v24 =	vor.u32 s26, v12  }
0xe7: {  	v20 =	vld.idx.msk [tilespmem:v20+s3+$0x0], $0xffff  }
0xe8: {  	v21 =	vld.idx.msk [tilespmem:v21+s3+$0x0], $0xffff  }
0xe9: {  	v22 =	vld.idx.msk [tilespmem:v22+s3+$0x0], $0xffff  }
0xea: {  	v26 =	vld.idx.msk [tilespmem:v26+s3+$0x0], $0xffff  }
0xeb: {  	v24 =	vld.idx.msk [tilespmem:v24+s3+$0x0], $0xffff  }
0xec: {  	v28 =	vld.idx.msk [tilespmem:v28+s3+$0x0], $0xffff  }
0xed: {  	v29 =	vld.idx.msk [tilespmem:v29+s3+$0x0], $0xffff;
	(xrf1) =	vsort.ascd.msk.f32 $0xffff, v20, v20  }
0xee: {  	(xrf1) =	vsort.ascd.msk.f32 $0xffff, v21, v21  }
0xef: {  	v20 =	vld.idx.msk [tilespmem:v31+s3+$0x0], $0xffff;
	(xrf1) =	vsort.ascd.msk.f32 $0xffff, v22, v22  }
0xf0: {  	(xrf1) =	vsort.ascd.msk.f32 $0xffff, v26, v26  }
0xf1: {  	(xrf1) =	vsort.ascd.msk.f32 $0xffff, v24, v24  }
0xf2: {  	v21 =	vld.idx.msk [tilespmem:v25+s3+$0x0], $0xffff;
	(xrf1) =	vsort.ascd.msk.f32 $0xffff, v28, v28  }
0xf3: {  	v22 =	vor.u32 s26, v2;
	v24 =	vld.idx.msk [tilespmem:v30+s3+$0x0], $0xffff;
	(xrf1) =	vsort.ascd.msk.f32 $0xffff, v29, v29  }
0xf4: {  	v25 =	vor.u32 s26, v1;
	v23 =	vld.idx.msk [tilespmem:v23+s3+$0x0], $0xffff  }
0xf5: {  	v26 =	vld.idx.msk [tilespmem:v32+s3+$0x0], $0xffff;
	(xrf1) =	vsort.ascd.msk.f32 $0xffff, v20, v20  }
0xf6: {  	v20 =	vor.u32 s26, v0;
	v27 =	vld.idx.msk [tilespmem:v27+s3+$0x0], $0xffff;
	_ =	sdelay $0x1  }
0xf7: {  	v22 =	vld.idx.msk [tilespmem:v22+s3+$0x0], $0xffff;
	(xrf1) =	vsort.ascd.msk.f32 $0xffff, v21, v21  }
0xf8: {  	v21 =	vld.idx.msk [tilespmem:v25+s3+$0x0], $0xffff;
	(xrf1) =	vsort.ascd.msk.f32 $0xffff, v24, v24  }
0xf9: {  	(xrf1) =	vsort.ascd.msk.f32 $0xffff, v23, v23  }
0xfa: {  	v20 =	vld.idx.msk [tilespmem:v20+s3+$0x0], $0xffff;
	(xrf1) =	vsort.ascd.msk.f32 $0xffff, v26, v26;
	v23, _, _ =	vpop (xrf1)  }
0xfb: {  	v23 =	vperm.xlane v23, v17;
	(xrf1) =	vsort.ascd.msk.f32 $0xffff, v27, v27;
	v24, _, _ =	vpop (xrf1)  }
0xfc: {  	v25, _, _ =	vpop (xrf1)  }
0xfd: {  	v25 =	vperm.xlane v25, v17;
	v26 =	vmin.f32 v24, v23;
	v23 =	vmax.f32 v24, v23;
	v24, _, _ =	vpop (xrf1)  }
0xfe: {  	v24 =	vperm.xlane v24, v17;
	(xrf1) =	vsort.ascd.msk.f32 $0xffff, v21, v21;
	v21, _, _ =	vpop (xrf1)  }
0xff: {  	v27 =	vmin.f32 v21, v25;
	v21 =	vmax.f32 v21, v25;
	(xrf1) =	vsort.ascd.msk.f32 $0xffff, v22, v22;
	v22, _, _ =	vpop (xrf1)  }
0x100: {  	v25 =	vmin.f32 v22, v24;
	v22 =	vmax.f32 v22, v24;
	(xrf1) =	vsort.ascd.msk.f32 $0xffff, v20, v20;
	v20, _, _ =	vpop (xrf1)  }
0x101: {  	v20 =	vperm.xlane v20, v17;
	(xrf1) =	vsort.ascd.msk.f32 $0xffff, v26, v26  }
0x102: {  	v24, _, _ =	vpop (xrf1);
	(xrf1) =	vsort.ascd.msk.f32 $0xffff, v23, v23  }
0x103: {  	v26 =	vmin.f32 v24, v20;
	v20 =	vmax.f32 v24, v20;
	(xrf1) =	vsort.ascd.msk.f32 $0xffff, v27, v27  }
0x104: {  	(xrf1) =	vsort.ascd.msk.f32 $0xffff, v26, v26  }
0x105: {  	v23, _, _ =	vpop (xrf1);
	(xrf1) =	vsort.ascd.msk.f32 $0xffff, v20, v20  }
0x106: {  	v20 =	vperm.xlane v23, v17;
	v23, _, _ =	vpop (xrf1);
	(xrf1) =	vsort.ascd.msk.f32 $0xffff, v25, v25  }
0x107: {  	v24, _, _ =	vpop (xrf1);
	(xrf1) =	vsort.ascd.msk.f32 $0xffff, v21, v21  }
0x108: {  	v21 =	vperm.xlane v24, v17;
	v24 =	vmin.f32 v23, v20;
	v20 =	vmax.f32 v23, v20;
	v23, _, _ =	vpop (xrf1)  }
0x109: {  	v25, _, _ =	vpop (xrf1);
	(xrf1) =	vsort.ascd.msk.f32 $0xffff, v22, v22  }
0x10a: {  	v22 =	vperm.xlane v25, v17;
	v25 =	vmax.f32 v23, v21;
	(xrf1) =	vsort.ascd.msk.f32 $0xffff, v24, v24  }
0x10b: {  	v21 =	vmin.f32 v23, v21;
	(xrf1) =	vsort.ascd.msk.f32 $0xffff, v25, v25  }
0x10c: {  	v23, _, _ =	vpop (xrf1);
	(xrf1) =	vsort.ascd.msk.f32 $0xffff, v20, v20  }
0x10d: {  	v20 =	vperm.xlane v23, v17;
	v23, _, _ =	vpop (xrf1);
	(xrf1) =	vsort.ascd.msk.f32 $0xffff, v21, v21  }
0x10e: {  	v25 =	vmin.f32 v23, v22;
	v22 =	vmax.f32 v23, v22;
	v23, _, _ =	vpop (xrf1)  }
0x10f: {  	v24 =	vmin.f32 v23, v20;
	(xrf1) =	vsort.ascd.msk.f32 $0xffff, v25, v25;
	v21, _, _ =	vpop (xrf1)  }
0x110: {  	v25 =	vmax.f32 v23, v20;
	(xrf1) =	vsort.ascd.msk.f32 $0xffff, v24, v24;
	v23, _, _ =	vpop (xrf1)  }
0x111: {  	v21 =	vperm.xlane v21, v17;
	v26 =	vperm.xlane v23, v17;
	(xrf1) =	vsort.ascd.msk.f32 $0xffff, v25, v25;
	v20, _, _ =	vpop (xrf1)  }
0x112: {  	(xrf1) =	vsort.ascd.msk.f32 $0xffff, v22, v22;
	v22, _, _ =	vpop (xrf1)  }
0x113: {  	v24 =	vmin.f32 v20, v26;
	v25, _, _ =	vpop (xrf1)  }
0x114: {  	v20 =	vmax.f32 v20, v26;
	v23, _, _ =	vpop (xrf1)  }
0x115: {  	v23 =	vperm.xlane v23, v17;
	v26, _, _ =	vpop (xrf1)  }
0x116: {  	v27 =	vmin.f32 v26, v21;
	v21 =	vmax.f32 v26, v21  }
0x117: {  	v26 =	vmin.f32 v25, v23;
	v23 =	vmax.f32 v25, v23;
	v25 =	vmax.f32 v24, v27;
	v28, _, _ =	vpop (xrf1)  }
0x118: {  	v24 =	vmin.f32 v24, v27;
	v27 =	vmax.f32 v20, v21;
	v30 =	vperm.xlane v28, v17;
	v29, _, _ =	vpop (xrf1)  }
0x119: {  	v20 =	vmin.f32 v20, v21;
	v29 =	vperm.xlane v29, v17;
	v21, _, _ =	vpop (xrf1);
	(xrf1) =	vsort.ascd.msk.f32 $0xffff, v24, v24  }
0x11a: {  	v24 =	vmin.f32 v22, v30;
	v22 =	vmax.f32 v22, v30;
	v28, _, _ =	vpop (xrf1);
	(xrf1) =	vsort.ascd.msk.f32 $0xffff, v20, v20  }
0x11b: {  	v20 =	vmin.f32 v21, v29;
	v30 =	vmax.f32 v22, v23;
	v31, _, _ =	vpop (xrf1);
	(xrf1) =	vsort.ascd.msk.f32 $0xffff, v25, v25  }
0x11c: {  	v21 =	vmax.f32 v21, v29;
	v25 =	vmin.f32 v24, v26;
	v24 =	vmax.f32 v24, v26  }
0x11d: {  	v26 =	vperm.xlane v28, v17;
	v22 =	vmin.f32 v22, v23;
	v23, _, _ =	vpop (xrf1);
	(xrf1) =	vsort.ascd.msk.f32 $0xffff, v30, v30  }
0x11e: {  	v23 =	vperm.xlane v23, v17;
	v28, _, _ =	vpop (xrf1);
	(xrf1) =	vsort.ascd.msk.f32 $0xffff, v27, v27  }
0x11f: {  	v27 =	vmin.f32 v31, v26;
	v26 =	vmax.f32 v31, v26;
	v29, _, _ =	vpop (xrf1);
	(xrf1) =	vsort.ascd.msk.f32 $0xffff, v25, v25  }
0x120: {  	v25 =	vmin.f32 v29, v23;
	v23 =	vmax.f32 v29, v23;
	v29 =	vmin.f32 v26, v21;
	v30, _, _ =	vpop (xrf1)  }
0x121: {  	v21 =	vmax.f32 v26, v21;
	v30 =	vperm.xlane v30, v17;
	(xrf1) =	vsort.ascd.msk.f32 $0xffff, v24, v24  }
0x122: {  	v24 =	vmin.f32 v27, v20;
	v20 =	vmax.f32 v27, v20;
	(xrf1) =	vsort.ascd.msk.f32 $0xffff, v22, v22  }
0x123: {  	v22 =	vmin.f32 v28, v30;
	v26 =	vmax.f32 v28, v30;
	(xrf1) =	vsort.ascd.msk.f32 $0xffff, v29, v29  }
0x124: {  	v27 =	vmax.f32 v22, v25;
	v28 =	vmax.f32 v26, v23;
	(xrf1) =	vsort.ascd.msk.f32 $0xffff, v24, v24  }
0x125: {  	v22 =	vmin.f32 v22, v25;
	v23 =	vmin.f32 v26, v23;
	(xrf1) =	vsort.ascd.msk.f32 $0xffff, v20, v20  }
0x126: {  	(xrf1) =	vsort.ascd.msk.f32 $0xffff, v28, v28  }
0x127: {  	(xrf1) =	vsort.ascd.msk.f32 $0xffff, v22, v22;
	v20, _, _ =	vpop (xrf1)  }
0x128: {  	(xrf1) =	vsort.ascd.msk.f32 $0xffff, v21, v21;
	v21, _, _ =	vpop (xrf1)  }
0x129: {  	v21 =	vperm.xlane v21, v17;
	(xrf1) =	vsort.ascd.msk.f32 $0xffff, v23, v23;
	v22, _, _ =	vpop (xrf1)  }
0x12a: {  	v20 =	vperm.xlane v20, v17;
	(xrf1) =	vsort.ascd.msk.f32 $0xffff, v27, v27  }
0x12b: {  	v23, _, _ =	vpop (xrf1)  }
0x12c: {  	v20 =	vmax.f32 v23, v20;
	v23, _, _ =	vpop (xrf1)  }
0x12d: {  	v24, _, _ =	vpop (xrf1)  }
0x12e: {  	v22 =	vperm.xlane v22, v17;
	v23 =	vperm.xlane v23, v17  }
0x12f: {  	v25, _, _ =	vpop (xrf1)  }
0x130: {  	v23 =	vmax.f32 v24, v23;
	v27 =	vmax.f32 v25, v21;
	v24, _, _ =	vpop (xrf1)  }
0x131: {  	v26 =	vmax.f32 v24, v22;
	v24 =	vmin.f32 v27, v20;
	v25, _, _ =	vpop (xrf1)  }
0x132: {  	v20 =	vmax.f32 v27, v20;
	v29 =	vmin.f32 v23, v26;
	v28 =	vmax.f32 v23, v26;
	v21, _, _ =	vpop (xrf1)  }
0x133: {  	v23 =	vmin.f32 v29, v24;
	v27 =	vmin.f32 v28, v20;
	v20 =	vmax.f32 v28, v20;
	v22, _, _ =	vpop (xrf1)  }
0x134: {  	v24 =	vmax.f32 v29, v24;
	v22 =	vperm.xlane v22, v17;
	v26, _, _ =	vpop (xrf1);
	(xrf1) =	vsort.ascd.msk.f32 $0xffff, v23, v23  }
0x135: {  	v21 =	vperm.xlane v21, v17;
	v23 =	vperm.xlane v25, v17;
	v25, _, _ =	vpop (xrf1);
	(xrf1) =	vsort.ascd.msk.f32 $0xffff, v27, v27  }
0x136: {  	v27, _, _ =	vpop (xrf1);
	(xrf1) =	vsort.ascd.msk.f32 $0xffff, v20, v20  }
0x137: {  	v21 =	vmax.f32 v26, v21;
	v20 =	vperm.xlane v27, v17;
	v26, _, _ =	vpop (xrf1);
	(xrf1) =	vsort.ascd.msk.f32 $0xffff, v24, v24  }
0x138: {  	v24, _, _ =	vpop (xrf1)  }
0x139: {  	v22 =	vmax.f32 v26, v22;
	v20 =	vmax.f32 v25, v20;
	v23 =	vmax.f32 v24, v23  }
0x13a: {  	v24 =	vmin.f32 v20, v22;
	v20 =	vmax.f32 v20, v22;
	v22 =	vmin.f32 v23, v21  }
0x13b: {  	v21 =	vmax.f32 v23, v21;
	v23 =	vmin.f32 v24, v22;
	v22 =	vmax.f32 v24, v22  }
0x13c: {  	v24 =	vmin.f32 v20, v21;
	v20 =	vmax.f32 v20, v21;
	(xrf1) =	vsort.ascd.msk.f32 $0xffff, v23, v23  }
0x13d: {  	(xrf1) =	vsort.ascd.msk.f32 $0xffff, v20, v20;
	_ =	sdelay $0x1  }
0x13e: {  	(xrf1) =	vsort.ascd.msk.f32 $0xffff, v22, v22;
	_ =	sdelay $0x1  }
.Ltmp1:
0x13f: {  	(pc) =	sbr.rel @p0 .LBB2_4-.Ltmp1, $4  }
0x140: {  	v23, _, _ =	vpop (xrf1)  }
0x141: {  	v20, _, _ =	vpop (xrf1)  }
0x142: {  	(xrf1) =	vsort.ascd.msk.f32 $0xffff, v24, v24;
	v21, _, _ =	vpop (xrf1)  }
0x143: {  	v22, _, _ =	vpop (xrf1)  }
0x144: {  	_ =	sdelay $0x8  }
0x145: {  	v24, _, _ =	vpop (xrf1)  }
0x146: {  	v23 =	vperm.xlane v23, v17;
	v21 =	vperm.xlane v21, v17;
	v25, _, _ =	vpop (xrf1)  }
0x147: {  	v20 =	vperm.xlane v20, v17;
	v22 =	vperm.xlane v22, v17;
	v26, _, _ =	vpop (xrf1)  }
0x148: {  	v21 =	vmax.f32 v24, v21;
	v59, _, _ =	vpop (xrf1)  }
0x149: {  	v23 =	vmax.f32 v25, v23;
	v20 =	vmax.f32 v26, v20;
	v22 =	vmax.f32 v59, v22  }
0x14a: {  	v60 =	vmin.f32 v20, v23;
	v25 =	vmin.f32 v21, v22  }
0x14b: {  	v20 =	vmax.f32 v20, v23;
	v61 =	vmin.f32 v25, v60  }
0x14c: {  	v21 =	vmax.f32 v21, v22;
	v62 =	vmax.f32 v25, v60;
	(xrf1) =	vsort.ascd.msk.f32 $0xffff, v61, v61  }
0x14d: {  	v63 =	vmin.f32 v21, v20;
	(xrf1) =	vsort.ascd.msk.f32 $0xffff, v62, v62  }
0x14e: {  	v20 =	vmax.f32 v21, v20;
	(xrf1) =	vsort.ascd.msk.f32 $0xffff, v63, v63  }
0x14f: {  	(xrf1) =	vsort.ascd.msk.f32 $0xffff, v20, v20;
	_ =	sdelay $0xa  }
0x150: {  	v20, _, _ =	vpop (xrf1)  }
0x151: {  	[tilespmem:s23+$0xFFFFFFE0] =	vst v20;
	v20, _, _ =	vpop (xrf1)  }
0x152: {  	[tilespmem:s23+$0xFFFFFFF0] =	vst v20;
	v20, _, _ =	vpop (xrf1)  }
0x153: {  	[tilespmem:s23+$0x0] =	vst v20;
	v20, _, _ =	vpop (xrf1)  }
0x154: {  	[tilespmem:s23+$0x10] =	vst v20;
	s23 =	simm.s32 $0x1  }
.LBB2_6:
0x155: {  	s24 =	sshll.u32 s23, $0x12  }
0x156: {  	s24 =	sadd.s32 s4, s24  }
0x157: {  	s24 =	sshrl.u32 s24, $0x3  }
0x158: {  	s25 =	simm.s32 $0x0;
	s24 =	sadd.s32 s1, s24  }
0x159: {  	s26 =	simm.s32 $0x400;
	s28 =	simm.s32 $0x800;
	s29 =	sadd.s32 $0x0, s24  }
.LBB2_7:
0x15a: {  	[tilespmem:s25], [sflag:$0x1] =	stream.linear.gather [hbm4b:s29+s3], $0x400, $0x38;
	[tilespmem:$0x1E400] =	vst v63  }
0x15b: {  	s29 =	smov.u32 s26;
	s25 =	smov.u32 s28;
	p0 =	sne.s32 s26, $0x7C00  }
.Ltmp2:
0x15c: {  	s26 =	sadd.s32 $0x400, s26;
	(pc) =	sbr.rel @p0 .LBB2_7-.Ltmp2, $2  }
0x15d: {  	_ =	sdelay $0x2  }
0x15e: {  	s28 =	sadd.s32 $0x800, s28;
	s29 =	sadd.s32 s29, s24  }
0x15f: {  	[tilespmem:s25], [sflag:$0x1] =	stream.linear.gather [hbm4b:s29+s3], $0x400, $0x38;
	[tilespmem:$0x1E400] =	vst v63  }
0x160: {  	_ =	swait.ge [sflag:s16], $0x8000  }
0x161: {  	[sflag:s16] =	ssyncset.done $0x0  }
0x162: {  	s24 =	simm.s32 $0x0;
	s25 =	simm.s32 $0x200;
	[sflag:s16] =	ssyncadd.s32 $0xFFFF8000  }
.LBB2_9:
0x163: {  	v21 =	vmov s25;
	_ =	sdelay $0x1  }
0x164: {  	s26 =	sshll.u32 s24, $0x4  }
0x165: {  	v20 =	vor.u32 s26, v13  }
0x166: {  	s31 =	simm.s32 $0x0;
	v22 =	vshll.u32 v20, $0x7  }
0x167: {  	v23 =	vld.idx.msk [tilespmem:v21+s31+$0xFFFFFF00 ss:$0x1], $0xffff  }
0x168: {  	v24 =	vand.u32 $0x7, v13;
	v37 =	vld.idx.msk [tilespmem:v21+s31+$0xFFFFFE00 ss:$0x1], $0xffff  }
0x169: {  	v28 =	vimm.s32 $0x0;
	v25 =	vmul.u32 $0x80, v24;
	v20 =	vshll.u32 v20, $0x8;
	v26 =	vld.idx.msk [tilespmem:v21+s31+$0xFFFFFE80 ss:$0x1], $0xffff  }
0x16a: {  	v27 =	vshll.u32 v28, $0x3;
	v20 =	vand.u32 $0x7800, v20;
	v24 =	vld.idx.msk [tilespmem:v21+s31+$0xFFFFFF80 ss:$0x1], $0xffff  }
0x16b: {  	v20 =	vor.u32 v25, v20;
	v25 =	vand.u32 $0xFFFFFC00, v27;
	v22 =	vld.idx.msk [tilespmem:v22+s17+$0x0], $0xffff  }
0x16c: {  	v29 =	vand.u32 $0x7F, v28;
	v27 =	vadd.s32 v20, v25;
	v25 =	vld.idx.msk [tilespmem:v21+s31+$0x0 ss:$0x1], $0xffff  }
0x16d: {  	v39 =	vor.u32 v29, v27;
	v27 =	vld.idx.msk [tilespmem:v21+s31+$0x80 ss:$0x1], $0xffff;
	_ =	sdelay $0x2  }
0x16e: {  	vm7 =	vge.f32 v37, v22;
	vm0 =	vge.f32 v23, v22  }
0x16f: {  	vm2 =	vge.f32 v26, v22;
	vm1 =	vge.f32 v24, v22;
	vm3 =	vge.f32 v25, v22  }
0x170: {  	vm4 =	vge.f32 v27, v22;
	v29 =	vsel vm7, $0x1, v18;
	v30 =	vsel vm0, $0x1, v18  }
0x171: {  	v31 =	vsel vm2, $0x1, v18;
	v58 =	vsel vm1, $0x1, v18;
	v59 =	vsel vm3, $0x1, v18  }
0x172: {  	v60 =	vsel vm4, $0x1, v18;
	v32 =	vadd.s32 v29, v28;
	v29 =	vadd.s32 v29, v31  }
0x173: {  	v33 =	vand.u32 $0x7F, v32;
	v31 =	vshll.u32 v32, $0x3;
	v36 =	vadd.s32 v28, v29  }
0x174: {  	v29 =	vand.u32 $0xFFFFFC00, v31;
	v35 =	vadd.s32 v30, v36;
	v30 =	vshll.u32 v36, $0x3  }
0x175: {  	v28 =	vld.idx.msk [tilespmem:v21+s31+$0x180 ss:$0x1], $0xffff;
	v38 =	vadd.s32 v58, v35;
	v30 =	vand.u32 $0xFFFFFC00, v30;
	v31 =	vand.u32 $0x7F, v35  }
0x176: {  	v40 =	vadd.s32 v20, v29;
	v29 =	vld.idx.msk [tilespmem:v21+s31+$0x100 ss:$0x1], $0xffff;
	v41 =	vshll.u32 v35, $0x3;
	v34 =	vadd.s32 v20, v30  }
0x177: {  	v30 =	vshll.u32 v38, $0x3;
	v32 =	vadd.s32 v59, v38;
	v38 =	vand.u32 $0x7F, v38  }
0x178: {  	v33 =	vor.u32 v33, v40;
	v62 =	vand.u32 $0xFFFFFC00, v41;
	v30 =	vand.u32 $0xFFFFFC00, v30  }
0x179: {  	v61 =	vshll.u32 v32, $0x3;
	v35 =	vadd.s32 v60, v32;
	v40 =	vadd.s32 v20, v62  }
0x17a: {  	vm5 =	vge.f32 v28, v22;
	v30 =	vadd.s32 v20, v30;
	v63 =	vand.u32 $0xFFFFFC00, v61  }
0x17b: {  	[tilespmem:v39+s18+$0x0] =	vst.idx.msk vm7, v37;
	v37 =	vshll.u32 v35, $0x3;
	v30 =	vor.u32 v38, v30;
	vm6 =	vge.f32 v29, v22  }
0x17c: {  	s26 =	simm.s32 $0x2000;
	v38 =	vand.u32 $0x7F, v36;
	v36 =	vadd.s32 v20, v63;
	v39 =	vsel vm6, $0x1, v18  }
.LBB2_10:
0x17d: {  	p0 =	sne.s32 s26, $0x3E000;
	v41 =	vsel vm5, $0x1, v18;
	v34 =	vor.u32 v38, v34;
	s28 =	smov.u32 s26;
	s26 =	sadd.s32 $0x2000, s26  }
0x17e: {  	v38 =	vadd.s32 v39, v35;
	v31 =	vor.u32 v31, v40;
	v35 =	vand.u32 $0x7F, v35  }
0x17f: {  	v32 =	vand.u32 $0x7F, v32;
	v37 =	vand.u32 $0xFFFFFC00, v37;
	v39 =	vshll.u32 v38, $0x3  }
0x180: {  	[tilespmem:v33+s18+$0x0] =	vst.idx.msk vm2, v26;
	v26 =	vor.u32 v32, v36;
	v32 =	vadd.s32 v20, v37;
	v33 =	vand.u32 $0xFFFFFC00, v39  }
0x181: {  	v32 =	vor.u32 v35, v32;
	v35 =	vand.u32 $0x7F, v38;
	v33 =	vadd.s32 v20, v33  }
0x182: {  	[tilespmem:v34+s18+$0x0] =	vst.idx.msk vm0, v23;
	v23 =	vor.u32 v35, v33;
	v33 =	vadd.s32 v41, v38  }
0x183: {  	v34 =	vshll.u32 v33, $0x3;
	[tilespmem:v31+s18+$0x0] =	vst.idx.msk vm1, v24  }
0x184: {  	v24 =	vand.u32 $0xFFFFFC00, v34;
	[tilespmem:v30+s18+$0x0] =	vst.idx.msk vm3, v25  }
0x185: {  	v30 =	vadd.s32 v20, v24;
	[tilespmem:v26+s18+$0x0] =	vst.idx.msk vm4, v27  }
0x186: {  	s28 =	sshra.s32 s28, $0x2;
	[tilespmem:v32+s18+$0x0] =	vst.idx.msk vm6, v29  }
0x187: {  	[tilespmem:v23+s18+$0x0] =	vst.idx.msk vm5, v28  }
0x188: {  	v23 =	vld.idx.msk [tilespmem:v21+s28+$0xFFFFFF00 ss:$0x1], $0xffff  }
0x189: {  	v31 =	vld.idx.msk [tilespmem:v21+s28+$0xFFFFFE00 ss:$0x1], $0xffff  }
0x18a: {  	v26 =	vld.idx.msk [tilespmem:v21+s28+$0xFFFFFE80 ss:$0x1], $0xffff  }
0x18b: {  	v24 =	vld.idx.msk [tilespmem:v21+s28+$0xFFFFFF80 ss:$0x1], $0xffff;
	_ =	sdelay $0x2  }
0x18c: {  	v27 =	vand.u32 $0x7F, v33;
	v25 =	vld.idx.msk [tilespmem:v21+s28+$0x0 ss:$0x1], $0xffff  }
0x18d: {  	v30 =	vor.u32 v27, v30;
	vm0 =	vge.f32 v23, v22;
	vm4 =	vge.f32 v31, v22  }
0x18e: {  	v32 =	vsel vm0, $0x1, v18;
	vm2 =	vge.f32 v26, v22;
	v28 =	vsel vm4, $0x1, v18;
	v27 =	vld.idx.msk [tilespmem:v21+s28+$0x80 ss:$0x1], $0xffff  }
0x18f: {  	vm1 =	vge.f32 v24, v22;
	v29 =	vsel vm2, $0x1, v18;
	v34 =	vadd.s32 v28, v33  }
0x190: {  	v29 =	vadd.s32 v28, v29;
	v35 =	vand.u32 $0x7F, v34;
	v34 =	vshll.u32 v34, $0x3  }
0x191: {  	v36 =	vsel vm1, $0x1, v18;
	v37 =	vadd.s32 v33, v29;
	v33 =	vand.u32 $0xFFFFFC00, v34;
	v28 =	vld.idx.msk [tilespmem:v21+s28+$0x180 ss:$0x1], $0xffff  }
0x192: {  	vm3 =	vge.f32 v25, v22;
	v38 =	vadd.s32 v32, v37;
	v32 =	vshll.u32 v37, $0x3;
	v29 =	vld.idx.msk [tilespmem:v21+s28+$0x100 ss:$0x1], $0xffff  }
0x193: {  	v36 =	vadd.s32 v36, v38;
	[tilespmem:v30+s18+$0x0] =	vst.idx.msk vm4, v31;
	v30 =	vand.u32 $0xFFFFFC00, v32;
	v31 =	vand.u32 $0x7F, v38  }
0x194: {  	v33 =	vadd.s32 v20, v33;
	v32 =	vsel vm3, $0x1, v18;
	v34 =	vadd.s32 v20, v30  }
0x195: {  	vm4 =	vge.f32 v27, v22;
	v39 =	vshll.u32 v36, $0x3;
	v30 =	vand.u32 $0x7F, v36  }
0x196: {  	v40 =	vsel vm4, $0x1, v18;
	v32 =	vadd.s32 v32, v36;
	v36 =	vand.u32 $0xFFFFFC00, v39  }
.Ltmp3:
0x197: {  	v36 =	vadd.s32 v20, v36;
	v39 =	vshll.u32 v32, $0x3;
	vm5 =	vge.f32 v28, v22;
	(pc) =	sbr.rel @p0 .LBB2_10-.Ltmp3, $4  }
0x198: {  	v33 =	vor.u32 v35, v33;
	v38 =	vshll.u32 v38, $0x3;
	v30 =	vor.u32 v30, v36  }
0x199: {  	v35 =	vadd.s32 v40, v32;
	v40 =	vand.u32 $0xFFFFFC00, v38;
	v36 =	vand.u32 $0xFFFFFC00, v39  }
0x19a: {  	v38 =	vand.u32 $0x7F, v37;
	vm6 =	vge.f32 v29, v22;
	v36 =	vadd.s32 v20, v36  }
0x19b: {  	v40 =	vadd.s32 v20, v40;
	v37 =	vshll.u32 v35, $0x3;
	v39 =	vsel vm6, $0x1, v18  }
0x19c: {  	_ = 	snop  }
0x19d: {  	v21 =	vor.u32 v38, v34  }
0x19e: {  	v22 =	vadd.s32 v39, v35;
	v31 =	vor.u32 v31, v40;
	v57 =	vand.u32 $0x7F, v35  }
0x19f: {  	v32 =	vand.u32 $0x7F, v32;
	v58 =	vand.u32 $0xFFFFFC00, v37;
	v59 =	vshll.u32 v22, $0x3  }
0x1a0: {  	v32 =	vor.u32 v32, v36;
	v35 =	vadd.s32 v20, v58;
	v60 =	vand.u32 $0xFFFFFC00, v59  }
0x1a1: {  	[tilespmem:v33+s18+$0x0] =	vst.idx.msk vm2, v26;
	v62 =	vand.u32 $0x7F, v22;
	v61 =	vor.u32 v57, v35;
	v20 =	vadd.s32 v20, v60  }
0x1a2: {  	s26 =	sshll.u32 s24, $0x7;
	s24 =	sadd.s32 $0x1, s24;
	v20 =	vor.u32 v62, v20;
	[tilespmem:v21+s18+$0x0] =	vst.idx.msk vm0, v23  }
0x1a3: {  	p0 =	sne.s32 s24, $0x8;
	[tilespmem:v31+s18+$0x0] =	vst.idx.msk vm1, v24  }
.Ltmp4:
0x1a4: {  	[tilespmem:v30+s18+$0x0] =	vst.idx.msk vm3, v25;
	(pc) =	sbr.rel @p0 .LBB2_9-.Ltmp4, $4  }
0x1a5: {  	[tilespmem:v32+s18+$0x0] =	vst.idx.msk vm4, v27  }
0x1a6: {  	v63 =	vsel vm5, $0x1, v18;
	[tilespmem:v61+s18+$0x0] =	vst.idx.msk vm6, v29  }
0x1a7: {  	s26 =	sand.u32 $0x3FFFFF80, s26;
	v21 =	vadd.s32 v63, v22;
	[tilespmem:v20+s18+$0x0] =	vst.idx.msk vm5, v28  }
0x1a8: {  	s25 =	sadd.s32 $0x10, s25;
	[tilespmem:s26+$0x1C000] =	vst v21  }
0x1a9: {  	s23 =	sadd.s32 $0x1, s23  }
0x1aa: {  	p0 =	sne.s32 s23, $0x8  }
.Ltmp5:
0x1ab: {  	_ = 	snop;
	(pc) =	sbr.rel @p0 .LBB2_6-.Ltmp5, $1  }
0x1ac: {  	_ =	sdelay $0x3  }
0x1ad: {  	s23 =	simm.s32 $0x0  }
0x1ae: {  	v20 =	vmov s23  }
0x1af: {  	s23 =	simm.s32 $0x10020;
	v20 =	vand.u32 $0x7F, v20  }
0x1b0: {  	v21 =	vld [tilespmem:s23+$0x10];
	v24 =	vbroadcast v20, $0x0;
	v20 =	vmul.u32 $0x80, v13;
	_ =	sdelay $0x1  }
0x1b1: {  	v22 =	vor.u32 v20, v24;
	_ =	sdelay $0x2  }
0x1b2: {  	v21 =	vperm.xlane v21, v17;
	_ =	sdelay $0x1  }
0x1b3: {  	[tilespmem:v22+s19+$0x0] =	vst.idx.msk $0xffff, v21  }
0x1b4: {  	v22 =	vld [tilespmem:s23+$0x0]  }
0x1b5: {  	v21 =	vor.u32 $0x800, v20  }
0x1b6: {  	v23 =	vor.u32 v21, v24;
	_ =	sdelay $0x2  }
0x1b7: {  	v22 =	vperm.xlane v22, v17;
	_ =	sdelay $0x1  }
0x1b8: {  	[tilespmem:v23+s19+$0x0] =	vst.idx.msk $0xffff, v22  }
0x1b9: {  	v23 =	vld [tilespmem:s23+$0xFFFFFFF0]  }
0x1ba: {  	v22 =	vor.u32 $0x1000, v20  }
0x1bb: {  	v25 =	vor.u32 v22, v24;
	_ =	sdelay $0x2  }
0x1bc: {  	v23 =	vperm.xlane v23, v17;
	_ =	sdelay $0x1  }
0x1bd: {  	[tilespmem:v25+s19+$0x0] =	vst.idx.msk $0xffff, v23  }
0x1be: {  	v25 =	vld [tilespmem:s23+$0xFFFFFFE0]  }
0x1bf: {  	v23 =	vor.u32 $0x1800, v20  }
0x1c0: {  	v24 =	vor.u32 v23, v24;
	_ =	sdelay $0x1  }
0x1c1: {  	s25 =	simm.s32 $0x1  }
0x1c2: {  	s24 =	simm.s32 $0x2;
	v26 =	vmov s25;
	v25 =	vperm.xlane v25, v17  }
.LBB2_14:
0x1c3: {  	p0 =	sne.s32 s24, $0x7F  }
0x1c4: {  	v26 =	vand.u32 $0x7F, v26;
	[tilespmem:v24+s19+$0x0] =	vst.idx.msk $0xffff, v25;
	s23 =	sadd.s32 $0x80, s23;
	s25 =	smov.u32 s24;
	s24 =	sadd.s32 $0x1, s24  }
0x1c5: {  	v24 =	vld [tilespmem:s23+$0x10];
	v25 =	vbroadcast v26, $0x0;
	_ =	sdelay $0x1  }
0x1c6: {  	v26 =	vor.u32 v20, v25;
	_ =	sdelay $0x2  }
0x1c7: {  	v24 =	vperm.xlane v24, v17;
	_ =	sdelay $0x1  }
0x1c8: {  	[tilespmem:v26+s19+$0x0] =	vst.idx.msk $0xffff, v24  }
0x1c9: {  	v24 =	vld [tilespmem:s23+$0x0];
	_ =	sdelay $0x1  }
0x1ca: {  	v26 =	vor.u32 v21, v25;
	_ =	sdelay $0x2  }
0x1cb: {  	v24 =	vperm.xlane v24, v17;
	_ =	sdelay $0x1  }
0x1cc: {  	[tilespmem:v26+s19+$0x0] =	vst.idx.msk $0xffff, v24  }
0x1cd: {  	v24 =	vld [tilespmem:s23+$0xFFFFFFF0];
	_ =	sdelay $0x1  }
0x1ce: {  	v26 =	vor.u32 v22, v25;
	_ =	sdelay $0x2  }
0x1cf: {  	v24 =	vperm.xlane v24, v17;
	_ =	sdelay $0x1  }
0x1d0: {  	[tilespmem:v26+s19+$0x0] =	vst.idx.msk $0xffff, v24  }
0x1d1: {  	v26 =	vld [tilespmem:s23+$0xFFFFFFE0];
	_ =	sdelay $0x1  }
.Ltmp6:
0x1d2: {  	v24 =	vor.u32 v23, v25;
	(pc) =	sbr.rel @p0 .LBB2_14-.Ltmp6, $3  }
0x1d3: {  	_ =	sdelay $0x1  }
0x1d4: {  	v25 =	vperm.xlane v26, v17  }
0x1d5: {  	v26 =	vmov s25  }
0x1d6: {  	_ =	sdelay $0x3  }
0x1d7: {  	v26 =	vand.u32 $0x7F, v26;
	[tilespmem:v24+s19+$0x0] =	vst.idx.msk $0xffff, v25;
	s23 =	sadd.s32 $0x80, s23  }
0x1d8: {  	v24 =	vld [tilespmem:s23+$0x10];
	v61 =	vbroadcast v26, $0x0;
	_ =	sdelay $0x1  }
0x1d9: {  	v20 =	vor.u32 v20, v61;
	_ =	sdelay $0x2  }
0x1da: {  	v24 =	vperm.xlane v24, v17;
	_ =	sdelay $0x1  }
0x1db: {  	[tilespmem:v20+s19+$0x0] =	vst.idx.msk $0xffff, v24  }
0x1dc: {  	v20 =	vld [tilespmem:s23+$0x0];
	_ =	sdelay $0x1  }
0x1dd: {  	v21 =	vor.u32 v21, v61;
	_ =	sdelay $0x2  }
0x1de: {  	v20 =	vperm.xlane v20, v17;
	_ =	sdelay $0x1  }
0x1df: {  	[tilespmem:v21+s19+$0x0] =	vst.idx.msk $0xffff, v20  }
0x1e0: {  	v20 =	vld [tilespmem:s23+$0xFFFFFFF0];
	_ =	sdelay $0x1  }
0x1e1: {  	v62 =	vor.u32 v22, v61;
	_ =	sdelay $0x2  }
0x1e2: {  	v20 =	vperm.xlane v20, v17;
	_ =	sdelay $0x1  }
0x1e3: {  	[tilespmem:v62+s19+$0x0] =	vst.idx.msk $0xffff, v20  }
0x1e4: {  	v20 =	vld [tilespmem:s23+$0xFFFFFFE0];
	_ =	sdelay $0x1  }
0x1e5: {  	v63 =	vor.u32 v23, v61;
	_ =	sdelay $0x2  }
0x1e6: {  	v20 =	vperm.xlane v20, v17;
	_ =	sdelay $0x1  }
0x1e7: {  	[tilespmem:v63+s19+$0x0] =	vst.idx.msk $0xffff, v20  }
0x1e8: {  	[hbm4b:s5+s20] =	stream.strided.scatter [tilespmem:s19], [sflag:$0x1], $0x2000, s21, s20, $0x38;
	[tilespmem:$0x1E400] =	vst v63  }
0x1e9: {  	s31 =	simm.s32 $0x0;
	_ =	swait.ge [sflag:s16], $0x2000  }
0x1ea: {  	s24 =	sand.u32 $0xF800, s31;
	s23 =	sand.u32 $0x380, s31;
	[sflag:s16] =	ssyncset.done $0x0  }
0x1eb: {  	s23 =	sor.u32 s23, s24;
	[sflag:s16] =	ssyncadd.s32 $0xFFFFE000  }
0x1ec: {  	[tilespmem:s23+$0x70] =	vst v19  }
0x1ed: {  	[tilespmem:s23+$0x0] =	vst v19  }
0x1ee: {  	[tilespmem:s23+$0x10] =	vst v19  }
0x1ef: {  	[tilespmem:s23+$0x20] =	vst v19  }
0x1f0: {  	[tilespmem:s23+$0x30] =	vst v19  }
0x1f1: {  	s25 =	simm.s32 $0x100;
	s24 =	simm.s32 $0x80;
	[tilespmem:s23+$0x40] =	vst v19  }
0x1f2: {  	s26 =	sand.u32 $0xF800, s25;
	s25 =	simm.s32 $0x200;
	s28 =	sand.u32 $0x380, s24;
	[tilespmem:s23+$0x50] =	vst v19  }
.LBB2_16:
0x1f3: {  	p0 =	sne.s32 s25, $0xFF00;
	[tilespmem:s23+$0x60] =	vst v19;
	s23 =	sor.u32 s28, s26  }
0x1f4: {  	[tilespmem:s23+$0x70] =	vst v19  }
0x1f5: {  	[tilespmem:s23+$0x0] =	vst v19  }
.Ltmp7:
0x1f6: {  	[tilespmem:s23+$0x10] =	vst v19;
	(pc) =	sbr.rel @p0 .LBB2_16-.Ltmp7, $4  }
0x1f7: {  	[tilespmem:s23+$0x20] =	vst v19  }
0x1f8: {  	[tilespmem:s23+$0x30] =	vst v19  }
0x1f9: {  	s24 =	sadd.s32 $0x80, s24;
	[tilespmem:s23+$0x40] =	vst v19  }
0x1fa: {  	s26 =	sand.u32 $0xF800, s25;
	s25 =	sadd.s32 $0x100, s25;
	s28 =	sand.u32 $0x380, s24;
	[tilespmem:s23+$0x50] =	vst v19  }
0x1fb: {  	s24 =	sor.u32 s28, s26;
	[tilespmem:s23+$0x60] =	vst v19  }
0x1fc: {  	[tilespmem:s24+$0x70] =	vst v19  }
0x1fd: {  	[tilespmem:s24+$0x0] =	vst v19  }
0x1fe: {  	[tilespmem:s24+$0x10] =	vst v19  }
0x1ff: {  	[tilespmem:s24+$0x20] =	vst v19  }
0x200: {  	[tilespmem:s24+$0x30] =	vst v19  }
0x201: {  	[tilespmem:s24+$0x40] =	vst v19  }
0x202: {  	s23 =	simm.s32 $0x0;
	[tilespmem:s24+$0x50] =	vst v19  }
0x203: {  	s26 =	sadd.s32 $0x0, s7;
	s25 =	simm.s32 $0x800;
	[tilespmem:s24+$0x60] =	vst v19;
	s24 =	simm.s32 $0x400  }
.LBB2_18:
0x204: {  	[hbm4b:s26+s3] =	stream.linear.scatter [tilespmem:s23], [sflag:$0x1], $0x400, $0x38;
	[tilespmem:$0x1E400] =	vst v63  }
0x205: {  	s26 =	smov.u32 s24;
	s23 =	smov.u32 s25;
	p0 =	sne.s32 s24, $0x5C00  }
.Ltmp8:
0x206: {  	s24 =	sadd.s32 $0x400, s24;
	(pc) =	sbr.rel @p0 .LBB2_18-.Ltmp8, $2  }
0x207: {  	_ =	sdelay $0x2  }
0x208: {  	s25 =	sadd.s32 $0x800, s25;
	s26 =	sadd.s32 s26, s7  }
0x209: {  	[hbm4b:s26+s3] =	stream.linear.scatter [tilespmem:s23], [sflag:$0x1], $0x400, $0x38;
	[tilespmem:$0x1E400] =	vst v63  }
0x20a: {  	_ =	swait.ge [sflag:s16], $0x6000  }
0x20b: {  	s23 =	simm.s32 $0x0;
	s24 =	simm.s32 $0x400;
	[sflag:s16] =	ssyncset.done $0x0  }
0x20c: {  	s26 =	sadd.s32 $0x0, s8;
	s25 =	simm.s32 $0x800;
	[sflag:s16] =	ssyncadd.s32 $0xFFFFA000  }
.LBB2_20:
0x20d: {  	[hbm4b:s26+s3] =	stream.linear.scatter [tilespmem:s23], [sflag:$0x1], $0x400, $0x38;
	[tilespmem:$0x1E400] =	vst v63  }
0x20e: {  	s26 =	smov.u32 s24;
	s23 =	smov.u32 s25;
	p0 =	sne.s32 s24, $0x7C00  }
.Ltmp9:
0x20f: {  	s24 =	sadd.s32 $0x400, s24;
	(pc) =	sbr.rel @p0 .LBB2_20-.Ltmp9, $2  }
0x210: {  	_ =	sdelay $0x2  }
0x211: {  	s25 =	sadd.s32 $0x800, s25;
	s26 =	sadd.s32 s26, s8  }
0x212: {  	[hbm4b:s26+s3] =	stream.linear.scatter [tilespmem:s23], [sflag:$0x1], $0x400, $0x38;
	[tilespmem:$0x1E400] =	vst v63  }
0x213: {  	_ =	swait.ge [sflag:s16], $0x8000  }
0x214: {  	s23 =	simm.s32 $0x0;
	s24 =	simm.s32 $0x400;
	[sflag:s16] =	ssyncset.done $0x0  }
0x215: {  	s26 =	sadd.s32 $0x0, s9;
	s25 =	simm.s32 $0x800;
	[sflag:s16] =	ssyncadd.s32 $0xFFFF8000  }
.LBB2_22:
0x216: {  	[hbm4b:s26+s3] =	stream.linear.scatter [tilespmem:s23], [sflag:$0x1], $0x400, $0x38;
	[tilespmem:$0x1E400] =	vst v63  }
0x217: {  	s26 =	smov.u32 s24;
	s23 =	smov.u32 s25;
	p0 =	sne.s32 s24, $0x7C00  }
.Ltmp10:
0x218: {  	s24 =	sadd.s32 $0x400, s24;
	(pc) =	sbr.rel @p0 .LBB2_22-.Ltmp10, $2  }
0x219: {  	_ =	sdelay $0x2  }
0x21a: {  	s25 =	sadd.s32 $0x800, s25;
	s26 =	sadd.s32 s26, s9  }
0x21b: {  	[hbm4b:s26+s3] =	stream.linear.scatter [tilespmem:s23], [sflag:$0x1], $0x400, $0x38;
	[tilespmem:$0x1E400] =	vst v63  }
0x21c: {  	_ =	swait.ge [sflag:s16], $0x8000  }
0x21d: {  	s23 =	simm.s32 $0x0;
	s24 =	simm.s32 $0x400;
	[sflag:s16] =	ssyncset.done $0x0  }
0x21e: {  	s26 =	sadd.s32 $0x0, s10;
	s25 =	simm.s32 $0x800;
	[sflag:s16] =	ssyncadd.s32 $0xFFFF8000  }
.LBB2_24:
0x21f: {  	[hbm4b:s26+s3] =	stream.linear.scatter [tilespmem:s23], [sflag:$0x1], $0x400, $0x38;
	[tilespmem:$0x1E400] =	vst v63  }
0x220: {  	s26 =	smov.u32 s24;
	s23 =	smov.u32 s25;
	p0 =	sne.s32 s24, $0x7C00  }
.Ltmp11:
0x221: {  	s24 =	sadd.s32 $0x400, s24;
	(pc) =	sbr.rel @p0 .LBB2_24-.Ltmp11, $2  }
0x222: {  	_ =	sdelay $0x2  }
0x223: {  	s25 =	sadd.s32 $0x800, s25;
	s26 =	sadd.s32 s26, s10  }
0x224: {  	[hbm4b:s26+s3] =	stream.linear.scatter [tilespmem:s23], [sflag:$0x1], $0x400, $0x38;
	[tilespmem:$0x1E400] =	vst v63  }
0x225: {  	_ =	swait.ge [sflag:s16], $0x8000  }
0x226: {  	s23 =	simm.s32 $0x0;
	s24 =	simm.s32 $0x400;
	[sflag:s16] =	ssyncset.done $0x0  }
0x227: {  	s26 =	sadd.s32 $0x0, s11;
	s25 =	simm.s32 $0x800;
	[sflag:s16] =	ssyncadd.s32 $0xFFFF8000  }
.LBB2_26:
0x228: {  	[hbm4b:s26+s3] =	stream.linear.scatter [tilespmem:s23], [sflag:$0x1], $0x400, $0x38;
	[tilespmem:$0x1E400] =	vst v63  }
0x229: {  	s26 =	smov.u32 s24;
	s23 =	smov.u32 s25;
	p0 =	sne.s32 s24, $0x7C00  }
.Ltmp12:
0x22a: {  	s24 =	sadd.s32 $0x400, s24;
	(pc) =	sbr.rel @p0 .LBB2_26-.Ltmp12, $2  }
0x22b: {  	_ =	sdelay $0x2  }
0x22c: {  	s25 =	sadd.s32 $0x800, s25;
	s26 =	sadd.s32 s26, s11  }
0x22d: {  	[hbm4b:s26+s3] =	stream.linear.scatter [tilespmem:s23], [sflag:$0x1], $0x400, $0x38;
	[tilespmem:$0x1E400] =	vst v63  }
0x22e: {  	_ =	swait.ge [sflag:s16], $0x8000  }
0x22f: {  	s23 =	simm.s32 $0x0;
	s24 =	simm.s32 $0x400;
	[sflag:s16] =	ssyncset.done $0x0  }
0x230: {  	s26 =	sadd.s32 $0x0, s12;
	s25 =	simm.s32 $0x800;
	[sflag:s16] =	ssyncadd.s32 $0xFFFF8000  }
.LBB2_28:
0x231: {  	[hbm4b:s26+s3] =	stream.linear.scatter [tilespmem:s23], [sflag:$0x1], $0x400, $0x38;
	[tilespmem:$0x1E400] =	vst v63  }
0x232: {  	s26 =	smov.u32 s24;
	s23 =	smov.u32 s25;
	p0 =	sne.s32 s24, $0x7C00  }
.Ltmp13:
0x233: {  	s24 =	sadd.s32 $0x400, s24;
	(pc) =	sbr.rel @p0 .LBB2_28-.Ltmp13, $2  }
0x234: {  	_ =	sdelay $0x2  }
0x235: {  	s25 =	sadd.s32 $0x800, s25;
	s26 =	sadd.s32 s26, s12  }
0x236: {  	[hbm4b:s26+s3] =	stream.linear.scatter [tilespmem:s23], [sflag:$0x1], $0x400, $0x38;
	[tilespmem:$0x1E400] =	vst v63  }
0x237: {  	_ =	swait.ge [sflag:s16], $0x8000  }
0x238: {  	s23 =	simm.s32 $0x0;
	s24 =	simm.s32 $0x400;
	[sflag:s16] =	ssyncset.done $0x0  }
0x239: {  	s26 =	sadd.s32 $0x0, s13;
	s25 =	simm.s32 $0x800;
	[sflag:s16] =	ssyncadd.s32 $0xFFFF8000  }
.LBB2_30:
0x23a: {  	[hbm4b:s26+s3] =	stream.linear.scatter [tilespmem:s23], [sflag:$0x1], $0x400, $0x38;
	[tilespmem:$0x1E400] =	vst v63  }
0x23b: {  	s26 =	smov.u32 s24;
	s23 =	smov.u32 s25;
	p0 =	sne.s32 s24, $0x7C00  }
.Ltmp14:
0x23c: {  	s24 =	sadd.s32 $0x400, s24;
	(pc) =	sbr.rel @p0 .LBB2_30-.Ltmp14, $2  }
0x23d: {  	_ =	sdelay $0x2  }
0x23e: {  	s25 =	sadd.s32 $0x800, s25;
	s26 =	sadd.s32 s26, s13  }
0x23f: {  	[hbm4b:s26+s3] =	stream.linear.scatter [tilespmem:s23], [sflag:$0x1], $0x400, $0x38;
	[tilespmem:$0x1E400] =	vst v63  }
0x240: {  	_ =	swait.ge [sflag:s16], $0x8000  }
0x241: {  	s23 =	simm.s32 $0x0;
	s24 =	simm.s32 $0x400;
	[sflag:s16] =	ssyncset.done $0x0  }
0x242: {  	s26 =	sadd.s32 $0x0, s14;
	s25 =	simm.s32 $0x800;
	[sflag:s16] =	ssyncadd.s32 $0xFFFF8000  }
.LBB2_32:
0x243: {  	[hbm4b:s26+s3] =	stream.linear.scatter [tilespmem:s23], [sflag:$0x1], $0x400, $0x38;
	[tilespmem:$0x1E400] =	vst v63  }
0x244: {  	s26 =	smov.u32 s24;
	s23 =	smov.u32 s25;
	p0 =	sne.s32 s24, $0x7C00  }
.Ltmp15:
0x245: {  	s24 =	sadd.s32 $0x400, s24;
	(pc) =	sbr.rel @p0 .LBB2_32-.Ltmp15, $2  }
0x246: {  	_ =	sdelay $0x2  }
0x247: {  	s25 =	sadd.s32 $0x800, s25;
	s26 =	sadd.s32 s26, s14  }
0x248: {  	s22 =	sadd.s32 $0x1, s22  }
0x249: {  	p0 =	sne.s32 s22, s15  }
.Ltmp16:
0x24a: {  	_ = 	snop;
	(pc) =	sbr.rel @p0 .LBB2_1-.Ltmp16, $4  }
0x24b: {  	[hbm4b:s26+s3] =	stream.linear.scatter [tilespmem:s23], [sflag:$0x1], $0x400, $0x38;
	[tilespmem:$0x1E400] =	vst v63  }
0x24c: {  	_ =	swait.ge [sflag:s16], $0x8000  }
0x24d: {  	[sflag:s16] =	ssyncset.done $0x0  }
0x24e: {  	[sflag:s16] =	ssyncadd.s32 $0xFFFF8000  }
0x24f: {  	_ =	sfence.sel $0x180000  }
0x250: {  	[bflag:$0x0] =	sbarrier.arrive $0xFFFF  }
0x251: {  	p0 =	sne.s32 s0, $0x0;
	_ =	strace $0x90000047  }
0x252: {  	s0 =	sadd.s32 @!p0 $0x100000, s2;
	[bflag:$0x2] =	sbarrier.arrive $0xFFFF  }
0x253: {  	[sflag:s0] =	ssyncadd.tile.s32 @!p0 $0x1;
	_ =	shalt  }
.Lfunc_end2:
_tile_overlayer_lowered:
.L_overlay_start_2:
0x254: {  	(tag) =	ssettag $0x2  }
0x255: {  	s0 =	rddreg [dreg:$0x0];
	s2 =	stileid.u32  }
0x256: {  	s1 =	rddreg [dreg:$0x1];
	p0 =	sne.s32 s2, $0x0  }
0x257: {  	s3 =	rddreg [dreg:$0x2];
	[bflag:$0x3] =	sbarrier.arrive $0xFFFF;
	s2 =	simm.s32 @!p0 $0x1C01  }
0x258: {  	[timem:s3], [sflag:s2] =	dma.local @!p0 [hbm:s0], s1  }
0x259: {  	s0 =	simm.s32 @!p0 $0x1  }
0x25a: {  	_ =	swait.ge @!p0 [sflag:s0], s1  }
0x25b: {  	s1 =	ssub.s32 @!p0 $0x0, s1;
	[sflag:s0] =	ssyncset.done @!p0 $0x0  }
0x25c: {  	[sflag:s0] =	ssyncadd.s32 @!p0 s1  }
0x25d: {  	[bflag:$0x3] =	sbarrier.arrive $0xFFFF  }
0x25e: {  	_ =	shalt  }

</sc_bundles>
